<compile_context>
chip_gen: v7x
topology: tpu7x:2x2x1
jax: 0.10.2.dev20260603
libtpu: 0.0.44.dev20260713+nightly
codegen_flags: <defaults>
</compile_context>

<pallas_src>
import functools

import jax
import jax.numpy as jnp
from jax import lax
from jax.experimental import pallas as pl
from jax.experimental.pallas import tpu as pltpu
from jax.experimental.pallas import tpu_sc as plsc

VOCAB = 1000000
D = 64
DP = 128
T, S = 4096, 200
B = T * S
NC = 2
NS = 16
NW = NC * NS
TPW = T // NW
NBUF = 8
AHEAD = 6

_mesh = plsc.VectorSubcoreMesh(core_axis_name="c", subcore_axis_name="s")


@functools.partial(
    pl.kernel,
    out_type=jax.ShapeDtypeStruct((T, S, DP), jnp.float32),
    mesh=_mesh,
    compiler_params=pltpu.CompilerParams(use_tc_tiling_on_sc=False),
    scratch_types=[
        pltpu.VMEM((TPW, S), jnp.int32),
        pltpu.VMEM((NBUF, S, D), jnp.float32),
    ]
    + [pltpu.SemaphoreType.DMA] * (2 * NBUF),
)
def _emb_lookup(table_hbm, idx_hbm, out_hbm, idx_v, rows_v, *sems):
    gsem = sems[:NBUF]
    wsem = sems[NBUF:]
    wid = lax.axis_index("s") * NC + lax.axis_index("c")
    t0 = wid * TPW
    pltpu.sync_copy(idx_hbm.at[pl.ds(t0, TPW)], idx_v)

    def gather(j, b):
        return pltpu.make_async_copy(
            table_hbm.at[idx_v.at[j]], rows_v.at[b], gsem[b])

    def write(j, b):
        return pltpu.make_async_copy(
            rows_v.at[pl.ds(b, 1)],
            out_hbm.at[pl.ds(t0 + j, 1), :, 0:D], wsem[b])

    for j in range(AHEAD):
        gather(j, j % NBUF).start()

    def group(g, carry):
        for u in range(NBUF):
            j = NBUF * g + u
            b = u
            a = j + AHEAD
            ab = (u + AHEAD) % NBUF

            @pl.when(jnp.logical_and(a < TPW, a >= NBUF))
            def _():
                write(0, ab).wait()

            @pl.when(a < TPW)
            def _():
                gather(a, ab).start()

            gather(j, b).wait()
            write(j, b).start()
        return carry

    lax.fori_loop(0, TPW // NBUF, group, 0)
    for u in range(NBUF):
        write(0, u).wait()


def kernel(input_ids, wte):
    idx2 = input_ids.astype(jnp.int32) * 2
    wtep = jnp.pad(wte.T, ((0, DP - D), (0, 0))).T.reshape(2 * VOCAB, D)
    outp = _emb_lookup(wtep, idx2)
    return outp[:, :, :D]

# --- scband reference (transcript-rebuilt; emitter-appended) ---
"""Pipeline reference for scband-embedding-flax-17910013624923 (READ-ONLY COPY).

The authoritative reference and input builder live on the scoring server;
editing this copy changes nothing except your own understanding.
"""

import jax, jax.numpy as jnp
import numpy as np

VOCAB = 1000000
N_EMBD = 64

def setup_inputs(seed: int = 0) -> dict:
    key = jax.random.key(seed)
    k1, k2 = jax.random.split(key)
    input_ids = jax.random.randint(k1, (4096, 200), 0, VOCAB, dtype=jnp.int64 if jax.config.jax_enable_x64 else jnp.int32)
    # nn.Embed default init: variance-scaling-like normal; use scaled normal
    wte = jax.random.normal(k2, (VOCAB, N_EMBD), dtype=jnp.float32) * (1.0 / np.sqrt(N_EMBD))
    return {"input_ids": input_ids, "wte": wte}

def reference(input_ids, wte):
    # EmbeddingFlax.__call__: wte(input_ids.reshape(-1, input_ids.shape[-1])) then dropout (deterministic=True -> identity)
    ids = input_ids.reshape(-1, input_ids.shape[-1])
    emb = jnp.take(wte, ids, axis=0)
    # dropout with deterministic=True is identity
    return emb

if __name__ == "__main__":
    import jax
    _d = setup_inputs()
    print(jax.jit(kernel)(*tuple(_d.values())))

</pallas_src>

<mosaic_0001>
#map = affine_map<(d0, d1) -> (0, 0)>
#map1 = affine_map<(d0, d1) -> (0, 0, 0)>
module attributes {stable_mosaic.version = 14 : i64} {
  func.func @_emb_lookup(%arg0: i32, %arg1: i32, %arg2: memref<2000000x64xf32, #tpu.memory_space<hbm>>, %arg3: memref<4096x200xi32, #tpu.memory_space<hbm>>, %arg4: memref<4096x200x128xf32, #tpu.memory_space<hbm>>, %arg5: memref<128x200xi32, #tpu.memory_space<vmem>>, %arg6: memref<8x200x64xf32, #tpu.memory_space<vmem>>, %arg7: memref<!tpu.dma_semaphore, #tpu.memory_space<semaphore_mem>>, %arg8: memref<!tpu.dma_semaphore, #tpu.memory_space<semaphore_mem>>, %arg9: memref<!tpu.dma_semaphore, #tpu.memory_space<semaphore_mem>>, %arg10: memref<!tpu.dma_semaphore, #tpu.memory_space<semaphore_mem>>, %arg11: memref<!tpu.dma_semaphore, #tpu.memory_space<semaphore_mem>>, %arg12: memref<!tpu.dma_semaphore, #tpu.memory_space<semaphore_mem>>, %arg13: memref<!tpu.dma_semaphore, #tpu.memory_space<semaphore_mem>>, %arg14: memref<!tpu.dma_semaphore, #tpu.memory_space<semaphore_mem>>, %arg15: memref<!tpu.dma_semaphore, #tpu.memory_space<semaphore_mem>>, %arg16: memref<!tpu.dma_semaphore, #tpu.memory_space<semaphore_mem>>, %arg17: memref<!tpu.dma_semaphore, #tpu.memory_space<semaphore_mem>>, %arg18: memref<!tpu.dma_semaphore, #tpu.memory_space<semaphore_mem>>, %arg19: memref<!tpu.dma_semaphore, #tpu.memory_space<semaphore_mem>>, %arg20: memref<!tpu.dma_semaphore, #tpu.memory_space<semaphore_mem>>, %arg21: memref<!tpu.dma_semaphore, #tpu.memory_space<semaphore_mem>>, %arg22: memref<!tpu.dma_semaphore, #tpu.memory_space<semaphore_mem>>) attributes {dimension_semantics = [#tpu.dimension_semantics<core_parallel>, #tpu.dimension_semantics<subcore_parallel>], iteration_bounds = array<i64: 2, 16>, scalar_prefetch = 0 : i64, scratch_operands = 18 : i64, tpu.core_type = #tpu.core_type<sc_vector_subcore>, window_params = [{transform_indices = #map}, {transform_indices = #map}, {transform_indices = #map1}]} {
    %mul3A = arith.constant 2 : i32
    %mul3A_0 = arith.muli %arg1, %mul3A : i32
    %add3A = arith.addi %mul3A_0, %arg0 : i32
    %mul3A_1 = arith.constant 128 : i32
    %mul3A_2 = arith.muli %add3A, %mul3A_1 : i32
    "tpu.region"() ({
      %run_scoped3A = tpu.sem_alloc : memref<!tpu.dma_semaphore, #tpu.memory_space<semaphore_mem>>
      %dma_start3A_206 = arith.constant 0 : i32
      %dma_start3A_207 = tpu.memref_slice %arg3[%mul3A_2, %dma_start3A_206] : memref<4096x200xi32, #tpu.memory_space<hbm>> -> memref<128x200xi32, #tpu.memory_space<hbm>>
      %dma_start3A_208 = arith.constant 0 : i32
      %dma_start3A_209 = tpu.memref_slice %arg3[%mul3A_2, %dma_start3A_208] : memref<4096x200xi32, #tpu.memory_space<hbm>> -> memref<128x200xi32, #tpu.memory_space<hbm>>
      tpu.enqueue_dma source(%dma_start3A_209 : memref<128x200xi32, #tpu.memory_space<hbm>>) target(%arg5 : memref<128x200xi32, #tpu.memory_space<vmem>>) target_semaphore(%run_scoped3A : memref<!tpu.dma_semaphore, #tpu.memory_space<semaphore_mem>>)
      %dma_wait3A_210 = arith.constant 0 : i32
      %dma_wait3A_211 = tpu.memref_slice %arg3[%mul3A_2, %dma_wait3A_210] : memref<4096x200xi32, #tpu.memory_space<hbm>> -> memref<128x200xi32, #tpu.memory_space<hbm>>
      %dma_wait3A_212 = arith.constant 0 : i32
      %dma_wait3A_213 = tpu.memref_slice %arg3[%mul3A_2, %dma_wait3A_212] : memref<4096x200xi32, #tpu.memory_space<hbm>> -> memref<128x200xi32, #tpu.memory_space<hbm>>
      tpu.wait_dma2 semaphore(%run_scoped3A : memref<!tpu.dma_semaphore, #tpu.memory_space<semaphore_mem>>) src(%dma_wait3A_213 : memref<128x200xi32, #tpu.memory_space<hbm>>) dst(%arg5 : memref<128x200xi32, #tpu.memory_space<vmem>>)
      tpu.yield
    }) : () -> ()
    %dma_start3A = arith.constant 0 : i32
    %dma_start3A_3 = arith.constant 0 : i32
    %dma_start3A_4 = arith.constant 0 : i32
    %dma_start3A_5 = arith.constant 0 : i32
    %dma_start3A_6 = tpu.memref_slice %arg6[%dma_start3A_3, %dma_start3A_4, %dma_start3A_5] : memref<8x200x64xf32, #tpu.memory_space<vmem>> -> memref<1x200x64xf32, #tpu.memory_space<vmem>>
    %dma_start3A_7 = tpu.memref_squeeze %dma_start3A_6 : memref<1x200x64xf32, #tpu.memory_space<vmem>> -> memref<200x64xf32, #tpu.memory_space<vmem>>
    %dma_start3A_8 = arith.constant 0 : i32
    %dma_start3A_9 = tpu.memref_slice %arg5[%dma_start3A, %dma_start3A_8] : memref<128x200xi32, #tpu.memory_space<vmem>> -> memref<1x200xi32, #tpu.memory_space<vmem>>
    %dma_start3A_10 = tpu.memref_squeeze %dma_start3A_9 : memref<1x200xi32, #tpu.memory_space<vmem>> -> memref<200xi32, #tpu.memory_space<vmem>>
    %dma_start3A_11 = arith.constant 0 : i32
    %dma_start3A_12 = arith.constant 0 : i32
    %dma_start3A_13 = tpu.memref_slice %arg2[%dma_start3A_11, %dma_start3A_12] : memref<2000000x64xf32, #tpu.memory_space<hbm>> -> memref<2000000x64xf32, #tpu.memory_space<hbm>>
    tpu.enqueue_indirect_dma source(%dma_start3A_13 : memref<2000000x64xf32, #tpu.memory_space<hbm>>) target(%dma_start3A_7 : memref<200x64xf32, #tpu.memory_space<vmem>>) offsets(%dma_start3A_10 : memref<200xi32, #tpu.memory_space<vmem>>) semaphore(%arg7 : memref<!tpu.dma_semaphore, #tpu.memory_space<semaphore_mem>>)
    %dma_start3A_14 = arith.constant 1 : i32
    %dma_start3A_15 = arith.constant 1 : i32
    %dma_start3A_16 = arith.constant 0 : i32
    %dma_start3A_17 = arith.constant 0 : i32
    %dma_start3A_18 = tpu.memref_slice %arg6[%dma_start3A_15, %dma_start3A_16, %dma_start3A_17] : memref<8x200x64xf32, #tpu.memory_space<vmem>> -> memref<1x200x64xf32, #tpu.memory_space<vmem>>
    %dma_start3A_19 = tpu.memref_squeeze %dma_start3A_18 : memref<1x200x64xf32, #tpu.memory_space<vmem>> -> memref<200x64xf32, #tpu.memory_space<vmem>>
    %dma_start3A_20 = arith.constant 0 : i32
    %dma_start3A_21 = tpu.memref_slice %arg5[%dma_start3A_14, %dma_start3A_20] : memref<128x200xi32, #tpu.memory_space<vmem>> -> memref<1x200xi32, #tpu.memory_space<vmem>>
    %dma_start3A_22 = tpu.memref_squeeze %dma_start3A_21 : memref<1x200xi32, #tpu.memory_space<vmem>> -> memref<200xi32, #tpu.memory_space<vmem>>
    %dma_start3A_23 = arith.constant 0 : i32
    %dma_start3A_24 = arith.constant 0 : i32
    %dma_start3A_25 = tpu.memref_slice %arg2[%dma_start3A_23, %dma_start3A_24] : memref<2000000x64xf32, #tpu.memory_space<hbm>> -> memref<2000000x64xf32, #tpu.memory_space<hbm>>
    tpu.enqueue_indirect_dma source(%dma_start3A_25 : memref<2000000x64xf32, #tpu.memory_space<hbm>>) target(%dma_start3A_19 : memref<200x64xf32, #tpu.memory_space<vmem>>) offsets(%dma_start3A_22 : memref<200xi32, #tpu.memory_space<vmem>>) semaphore(%arg8 : memref<!tpu.dma_semaphore, #tpu.memory_space<semaphore_mem>>)
    %dma_start3A_26 = arith.constant 2 : i32
    %dma_start3A_27 = arith.constant 2 : i32
    %dma_start3A_28 = arith.constant 0 : i32
    %dma_start3A_29 = arith.constant 0 : i32
    %dma_start3A_30 = tpu.memref_slice %arg6[%dma_start3A_27, %dma_start3A_28, %dma_start3A_29] : memref<8x200x64xf32, #tpu.memory_space<vmem>> -> memref<1x200x64xf32, #tpu.memory_space<vmem>>
    %dma_start3A_31 = tpu.memref_squeeze %dma_start3A_30 : memref<1x200x64xf32, #tpu.memory_space<vmem>> -> memref<200x64xf32, #tpu.memory_space<vmem>>
    %dma_start3A_32 = arith.constant 0 : i32
    %dma_start3A_33 = tpu.memref_slice %arg5[%dma_start3A_26, %dma_start3A_32] : memref<128x200xi32, #tpu.memory_space<vmem>> -> memref<1x200xi32, #tpu.memory_space<vmem>>
    %dma_start3A_34 = tpu.memref_squeeze %dma_start3A_33 : memref<1x200xi32, #tpu.memory_space<vmem>> -> memref<200xi32, #tpu.memory_space<vmem>>
    %dma_start3A_35 = arith.constant 0 : i32
    %dma_start3A_36 = arith.constant 0 : i32
    %dma_start3A_37 = tpu.memref_slice %arg2[%dma_start3A_35, %dma_start3A_36] : memref<2000000x64xf32, #tpu.memory_space<hbm>> -> memref<2000000x64xf32, #tpu.memory_space<hbm>>
    tpu.enqueue_indirect_dma source(%dma_start3A_37 : memref<2000000x64xf32, #tpu.memory_space<hbm>>) target(%dma_start3A_31 : memref<200x64xf32, #tpu.memory_space<vmem>>) offsets(%dma_start3A_34 : memref<200xi32, #tpu.memory_space<vmem>>) semaphore(%arg9 : memref<!tpu.dma_semaphore, #tpu.memory_space<semaphore_mem>>)
    %dma_start3A_38 = arith.constant 3 : i32
    %dma_start3A_39 = arith.constant 3 : i32
    %dma_start3A_40 = arith.constant 0 : i32
    %dma_start3A_41 = arith.constant 0 : i32
    %dma_start3A_42 = tpu.memref_slice %arg6[%dma_start3A_39, %dma_start3A_40, %dma_start3A_41] : memref<8x200x64xf32, #tpu.memory_space<vmem>> -> memref<1x200x64xf32, #tpu.memory_space<vmem>>
    %dma_start3A_43 = tpu.memref_squeeze %dma_start3A_42 : memref<1x200x64xf32, #tpu.memory_space<vmem>> -> memref<200x64xf32, #tpu.memory_space<vmem>>
    %dma_start3A_44 = arith.constant 0 : i32
    %dma_start3A_45 = tpu.memref_slice %arg5[%dma_start3A_38, %dma_start3A_44] : memref<128x200xi32, #tpu.memory_space<vmem>> -> memref<1x200xi32, #tpu.memory_space<vmem>>
    %dma_start3A_46 = tpu.memref_squeeze %dma_start3A_45 : memref<1x200xi32, #tpu.memory_space<vmem>> -> memref<200xi32, #tpu.memory_space<vmem>>
    %dma_start3A_47 = arith.constant 0 : i32
    %dma_start3A_48 = arith.constant 0 : i32
    %dma_start3A_49 = tpu.memref_slice %arg2[%dma_start3A_47, %dma_start3A_48] : memref<2000000x64xf32, #tpu.memory_space<hbm>> -> memref<2000000x64xf32, #tpu.memory_space<hbm>>
    tpu.enqueue_indirect_dma source(%dma_start3A_49 : memref<2000000x64xf32, #tpu.memory_space<hbm>>) target(%dma_start3A_43 : memref<200x64xf32, #tpu.memory_space<vmem>>) offsets(%dma_start3A_46 : memref<200xi32, #tpu.memory_space<vmem>>) semaphore(%arg10 : memref<!tpu.dma_semaphore, #tpu.memory_space<semaphore_mem>>)
    %dma_start3A_50 = arith.constant 4 : i32
    %dma_start3A_51 = arith.constant 4 : i32
    %dma_start3A_52 = arith.constant 0 : i32
    %dma_start3A_53 = arith.constant 0 : i32
    %dma_start3A_54 = tpu.memref_slice %arg6[%dma_start3A_51, %dma_start3A_52, %dma_start3A_53] : memref<8x200x64xf32, #tpu.memory_space<vmem>> -> memref<1x200x64xf32, #tpu.memory_space<vmem>>
    %dma_start3A_55 = tpu.memref_squeeze %dma_start3A_54 : memref<1x200x64xf32, #tpu.memory_space<vmem>> -> memref<200x64xf32, #tpu.memory_space<vmem>>
    %dma_start3A_56 = arith.constant 0 : i32
    %dma_start3A_57 = tpu.memref_slice %arg5[%dma_start3A_50, %dma_start3A_56] : memref<128x200xi32, #tpu.memory_space<vmem>> -> memref<1x200xi32, #tpu.memory_space<vmem>>
    %dma_start3A_58 = tpu.memref_squeeze %dma_start3A_57 : memref<1x200xi32, #tpu.memory_space<vmem>> -> memref<200xi32, #tpu.memory_space<vmem>>
    %dma_start3A_59 = arith.constant 0 : i32
    %dma_start3A_60 = arith.constant 0 : i32
    %dma_start3A_61 = tpu.memref_slice %arg2[%dma_start3A_59, %dma_start3A_60] : memref<2000000x64xf32, #tpu.memory_space<hbm>> -> memref<2000000x64xf32, #tpu.memory_space<hbm>>
    tpu.enqueue_indirect_dma source(%dma_start3A_61 : memref<2000000x64xf32, #tpu.memory_space<hbm>>) target(%dma_start3A_55 : memref<200x64xf32, #tpu.memory_space<vmem>>) offsets(%dma_start3A_58 : memref<200xi32, #tpu.memory_space<vmem>>) semaphore(%arg11 : memref<!tpu.dma_semaphore, #tpu.memory_space<semaphore_mem>>)
    %dma_start3A_62 = arith.constant 5 : i32
    %dma_start3A_63 = arith.constant 5 : i32
    %dma_start3A_64 = arith.constant 0 : i32
    %dma_start3A_65 = arith.constant 0 : i32
    %dma_start3A_66 = tpu.memref_slice %arg6[%dma_start3A_63, %dma_start3A_64, %dma_start3A_65] : memref<8x200x64xf32, #tpu.memory_space<vmem>> -> memref<1x200x64xf32, #tpu.memory_space<vmem>>
    %dma_start3A_67 = tpu.memref_squeeze %dma_start3A_66 : memref<1x200x64xf32, #tpu.memory_space<vmem>> -> memref<200x64xf32, #tpu.memory_space<vmem>>
    %dma_start3A_68 = arith.constant 0 : i32
    %dma_start3A_69 = tpu.memref_slice %arg5[%dma_start3A_62, %dma_start3A_68] : memref<128x200xi32, #tpu.memory_space<vmem>> -> memref<1x200xi32, #tpu.memory_space<vmem>>
    %dma_start3A_70 = tpu.memref_squeeze %dma_start3A_69 : memref<1x200xi32, #tpu.memory_space<vmem>> -> memref<200xi32, #tpu.memory_space<vmem>>
    %dma_start3A_71 = arith.constant 0 : i32
    %dma_start3A_72 = arith.constant 0 : i32
    %dma_start3A_73 = tpu.memref_slice %arg2[%dma_start3A_71, %dma_start3A_72] : memref<2000000x64xf32, #tpu.memory_space<hbm>> -> memref<2000000x64xf32, #tpu.memory_space<hbm>>
    tpu.enqueue_indirect_dma source(%dma_start3A_73 : memref<2000000x64xf32, #tpu.memory_space<hbm>>) target(%dma_start3A_67 : memref<200x64xf32, #tpu.memory_space<vmem>>) offsets(%dma_start3A_70 : memref<200xi32, #tpu.memory_space<vmem>>) semaphore(%arg12 : memref<!tpu.dma_semaphore, #tpu.memory_space<semaphore_mem>>)
    %scan3A = arith.constant 0 : i32
    %scan3A_74 = arith.constant 0 : i32
    %scan3A_75 = arith.constant 16 : i32
    %scan3A_76 = arith.addi %scan3A_74, %scan3A_75 : i32
    %scan3A_77 = arith.constant 1 : i32
    scf.for %scan3A_206 = %scan3A_74 to %scan3A_76 step %scan3A_77  : i32 {
      %mul3A_207 = arith.constant 8 : i32
      %mul3A_208 = arith.muli %mul3A_207, %scan3A_206 : i32
      %add3A_209 = arith.constant 0 : i32
      %add3A_210 = arith.addi %mul3A_208, %add3A_209 : i32
      %add3A_211 = arith.constant 6 : i32
      %add3A_212 = arith.addi %add3A_210, %add3A_211 : i32
      %lt3A = arith.constant 128 : i32
      %lt3A_213 = arith.cmpi slt, %add3A_212, %lt3A : i32
      %ge3A = arith.constant 8 : i32
      %ge3A_214 = arith.cmpi sge, %add3A_212, %ge3A : i32
      %and3A = arith.andi %lt3A_213, %ge3A_214 : i1
      %convert_element_type3A = arith.extui %and3A : i1 to i32
      %cond3A = arith.constant 0 : i32
      %cond3A_215 = arith.cmpi ne, %convert_element_type3A, %cond3A : i32
      scf.if %cond3A_215 {
        %add3A_562 = arith.constant 0 : i32
        %add3A_563 = arith.addi %mul3A_2, %add3A_562 : i32
        %dma_wait3A_564 = arith.constant 6 : i32
        %dma_wait3A_565 = arith.constant 0 : i32
        %dma_wait3A_566 = arith.constant 0 : i32
        %dma_wait3A_567 = tpu.memref_slice %arg6[%dma_wait3A_564, %dma_wait3A_565, %dma_wait3A_566] : memref<8x200x64xf32, #tpu.memory_space<vmem>> -> memref<1x200x64xf32, #tpu.memory_space<vmem>>
        %dma_wait3A_568 = arith.constant 0 : i32
        %dma_wait3A_569 = arith.constant 0 : i32
        %dma_wait3A_570 = tpu.memref_slice %arg4[%add3A_563, %dma_wait3A_568, %dma_wait3A_569] : memref<4096x200x128xf32, #tpu.memory_space<hbm>> -> memref<1x200x64xf32, #tpu.memory_space<hbm>>
        %dma_wait3A_571 = arith.constant 0 : i32
        %dma_wait3A_572 = arith.constant 0 : i32
        %dma_wait3A_573 = tpu.memref_slice %arg4[%add3A_563, %dma_wait3A_571, %dma_wait3A_572] : memref<4096x200x128xf32, #tpu.memory_space<hbm>> -> memref<1x200x64xf32, #tpu.memory_space<hbm>>
        %dma_wait3A_574 = arith.constant 6 : i32
        %dma_wait3A_575 = arith.constant 0 : i32
        %dma_wait3A_576 = arith.constant 0 : i32
        %dma_wait3A_577 = tpu.memref_slice %arg6[%dma_wait3A_574, %dma_wait3A_575, %dma_wait3A_576] : memref<8x200x64xf32, #tpu.memory_space<vmem>> -> memref<1x200x64xf32, #tpu.memory_space<vmem>>
        tpu.wait_dma2 semaphore(%arg21 : memref<!tpu.dma_semaphore, #tpu.memory_space<semaphore_mem>>) src(%dma_wait3A_577 : memref<1x200x64xf32, #tpu.memory_space<vmem>>) dst(%dma_wait3A_573 : memref<1x200x64xf32, #tpu.memory_space<hbm>>)
      } else {
      }
      %lt3A_216 = arith.constant 128 : i32
      %lt3A_217 = arith.cmpi slt, %add3A_212, %lt3A_216 : i32
      %convert_element_type3A_218 = arith.extui %lt3A_217 : i1 to i32
      %cond3A_219 = arith.constant 0 : i32
      %cond3A_220 = arith.cmpi ne, %convert_element_type3A_218, %cond3A_219 : i32
      scf.if %cond3A_220 {
        %dma_start3A_562 = arith.constant 6 : i32
        %dma_start3A_563 = arith.constant 0 : i32
        %dma_start3A_564 = arith.constant 0 : i32
        %dma_start3A_565 = tpu.memref_slice %arg6[%dma_start3A_562, %dma_start3A_563, %dma_start3A_564] : memref<8x200x64xf32, #tpu.memory_space<vmem>> -> memref<1x200x64xf32, #tpu.memory_space<vmem>>
        %dma_start3A_566 = tpu.memref_squeeze %dma_start3A_565 : memref<1x200x64xf32, #tpu.memory_space<vmem>> -> memref<200x64xf32, #tpu.memory_space<vmem>>
        %dma_start3A_567 = arith.constant 0 : i32
        %dma_start3A_568 = tpu.memref_slice %arg5[%add3A_212, %dma_start3A_567] : memref<128x200xi32, #tpu.memory_space<vmem>> -> memref<1x200xi32, #tpu.memory_space<vmem>>
        %dma_start3A_569 = tpu.memref_squeeze %dma_start3A_568 : memref<1x200xi32, #tpu.memory_space<vmem>> -> memref<200xi32, #tpu.memory_space<vmem>>
        %dma_start3A_570 = arith.constant 0 : i32
        %dma_start3A_571 = arith.constant 0 : i32
        %dma_start3A_572 = tpu.memref_slice %arg2[%dma_start3A_570, %dma_start3A_571] : memref<2000000x64xf32, #tpu.memory_space<hbm>> -> memref<2000000x64xf32, #tpu.memory_space<hbm>>
        tpu.enqueue_indirect_dma source(%dma_start3A_572 : memref<2000000x64xf32, #tpu.memory_space<hbm>>) target(%dma_start3A_566 : memref<200x64xf32, #tpu.memory_space<vmem>>) offsets(%dma_start3A_569 : memref<200xi32, #tpu.memory_space<vmem>>) semaphore(%arg13 : memref<!tpu.dma_semaphore, #tpu.memory_space<semaphore_mem>>)
      } else {
      }
      %dma_wait3A_221 = arith.constant 0 : i32
      %dma_wait3A_222 = arith.constant 0 : i32
      %dma_wait3A_223 = arith.constant 0 : i32
      %dma_wait3A_224 = tpu.memref_slice %arg6[%dma_wait3A_221, %dma_wait3A_222, %dma_wait3A_223] : memref<8x200x64xf32, #tpu.memory_space<vmem>> -> memref<1x200x64xf32, #tpu.memory_space<vmem>>
      %dma_wait3A_225 = tpu.memref_squeeze %dma_wait3A_224 : memref<1x200x64xf32, #tpu.memory_space<vmem>> -> memref<200x64xf32, #tpu.memory_space<vmem>>
      %dma_wait3A_226 = arith.constant 0 : i32
      %dma_wait3A_227 = tpu.memref_slice %arg5[%add3A_210, %dma_wait3A_226] : memref<128x200xi32, #tpu.memory_space<vmem>> -> memref<1x200xi32, #tpu.memory_space<vmem>>
      %dma_wait3A_228 = tpu.memref_squeeze %dma_wait3A_227 : memref<1x200xi32, #tpu.memory_space<vmem>> -> memref<200xi32, #tpu.memory_space<vmem>>
      %dma_wait3A_229 = arith.constant 0 : i32
      %dma_wait3A_230 = arith.constant 0 : i32
      %dma_wait3A_231 = tpu.memref_slice %arg2[%dma_wait3A_229, %dma_wait3A_230] : memref<2000000x64xf32, #tpu.memory_space<hbm>> -> memref<2000000x64xf32, #tpu.memory_space<hbm>>
      tpu.wait_indirect_dma semaphore(%arg7 : memref<!tpu.dma_semaphore, #tpu.memory_space<semaphore_mem>>) src(%dma_wait3A_231 : memref<2000000x64xf32, #tpu.memory_space<hbm>>) dst(%dma_wait3A_225 : memref<200x64xf32, #tpu.memory_space<vmem>>)
      %add3A_232 = arith.addi %mul3A_2, %add3A_210 : i32
      %dma_start3A_233 = arith.constant 0 : i32
      %dma_start3A_234 = arith.constant 0 : i32
      %dma_start3A_235 = arith.constant 0 : i32
      %dma_start3A_236 = tpu.memref_slice %arg6[%dma_start3A_233, %dma_start3A_234, %dma_start3A_235] : memref<8x200x64xf32, #tpu.memory_space<vmem>> -> memref<1x200x64xf32, #tpu.memory_space<vmem>>
      %dma_start3A_237 = arith.constant 0 : i32
      %dma_start3A_238 = arith.constant 0 : i32
      %dma_start3A_239 = tpu.memref_slice %arg4[%add3A_232, %dma_start3A_237, %dma_start3A_238] : memref<4096x200x128xf32, #tpu.memory_space<hbm>> -> memref<1x200x64xf32, #tpu.memory_space<hbm>>
      %dma_start3A_240 = arith.constant 0 : i32
      %dma_start3A_241 = arith.constant 0 : i32
      %dma_start3A_242 = tpu.memref_slice %arg4[%add3A_232, %dma_start3A_240, %dma_start3A_241] : memref<4096x200x128xf32, #tpu.memory_space<hbm>> -> memref<1x200x64xf32, #tpu.memory_space<hbm>>
      %dma_start3A_243 = arith.constant 0 : i32
      %dma_start3A_244 = arith.constant 0 : i32
      %dma_start3A_245 = arith.constant 0 : i32
      %dma_start3A_246 = tpu.memref_slice %arg6[%dma_start3A_243, %dma_start3A_244, %dma_start3A_245] : memref<8x200x64xf32, #tpu.memory_space<vmem>> -> memref<1x200x64xf32, #tpu.memory_space<vmem>>
      tpu.enqueue_dma source(%dma_start3A_246 : memref<1x200x64xf32, #tpu.memory_space<vmem>>) target(%dma_start3A_242 : memref<1x200x64xf32, #tpu.memory_space<hbm>>) target_semaphore(%arg15 : memref<!tpu.dma_semaphore, #tpu.memory_space<semaphore_mem>>)
      %mul3A_247 = arith.constant 8 : i32
      %mul3A_248 = arith.muli %mul3A_247, %scan3A_206 : i32
      %add3A_249 = arith.constant 1 : i32
      %add3A_250 = arith.addi %mul3A_248, %add3A_249 : i32
      %add3A_251 = arith.constant 6 : i32
      %add3A_252 = arith.addi %add3A_250, %add3A_251 : i32
      %lt3A_253 = arith.constant 128 : i32
      %lt3A_254 = arith.cmpi slt, %add3A_252, %lt3A_253 : i32
      %ge3A_255 = arith.constant 8 : i32
      %ge3A_256 = arith.cmpi sge, %add3A_252, %ge3A_255 : i32
      %and3A_257 = arith.andi %lt3A_254, %ge3A_256 : i1
      %convert_element_type3A_258 = arith.extui %and3A_257 : i1 to i32
      %cond3A_259 = arith.constant 0 : i32
      %cond3A_260 = arith.cmpi ne, %convert_element_type3A_258, %cond3A_259 : i32
      scf.if %cond3A_260 {
        %add3A_562 = arith.constant 0 : i32
        %add3A_563 = arith.addi %mul3A_2, %add3A_562 : i32
        %dma_wait3A_564 = arith.constant 7 : i32
        %dma_wait3A_565 = arith.constant 0 : i32
        %dma_wait3A_566 = arith.constant 0 : i32
        %dma_wait3A_567 = tpu.memref_slice %arg6[%dma_wait3A_564, %dma_wait3A_565, %dma_wait3A_566] : memref<8x200x64xf32, #tpu.memory_space<vmem>> -> memref<1x200x64xf32, #tpu.memory_space<vmem>>
        %dma_wait3A_568 = arith.constant 0 : i32
        %dma_wait3A_569 = arith.constant 0 : i32
        %dma_wait3A_570 = tpu.memref_slice %arg4[%add3A_563, %dma_wait3A_568, %dma_wait3A_569] : memref<4096x200x128xf32, #tpu.memory_space<hbm>> -> memref<1x200x64xf32, #tpu.memory_space<hbm>>
        %dma_wait3A_571 = arith.constant 0 : i32
        %dma_wait3A_572 = arith.constant 0 : i32
        %dma_wait3A_573 = tpu.memref_slice %arg4[%add3A_563, %dma_wait3A_571, %dma_wait3A_572] : memref<4096x200x128xf32, #tpu.memory_space<hbm>> -> memref<1x200x64xf32, #tpu.memory_space<hbm>>
        %dma_wait3A_574 = arith.constant 7 : i32
        %dma_wait3A_575 = arith.constant 0 : i32
        %dma_wait3A_576 = arith.constant 0 : i32
        %dma_wait3A_577 = tpu.memref_slice %arg6[%dma_wait3A_574, %dma_wait3A_575, %dma_wait3A_576] : memref<8x200x64xf32, #tpu.memory_space<vmem>> -> memref<1x200x64xf32, #tpu.memory_space<vmem>>
        tpu.wait_dma2 semaphore(%arg22 : memref<!tpu.dma_semaphore, #tpu.memory_space<semaphore_mem>>) src(%dma_wait3A_577 : memref<1x200x64xf32, #tpu.memory_space<vmem>>) dst(%dma_wait3A_573 : memref<1x200x64xf32, #tpu.memory_space<hbm>>)
      } else {
      }
      %lt3A_261 = arith.constant 128 : i32
      %lt3A_262 = arith.cmpi slt, %add3A_252, %lt3A_261 : i32
      %convert_element_type3A_263 = arith.extui %lt3A_262 : i1 to i32
      %cond3A_264 = arith.constant 0 : i32
      %cond3A_265 = arith.cmpi ne, %convert_element_type3A_263, %cond3A_264 : i32
      scf.if %cond3A_265 {
        %dma_start3A_562 = arith.constant 7 : i32
        %dma_start3A_563 = arith.constant 0 : i32
        %dma_start3A_564 = arith.constant 0 : i32
        %dma_start3A_565 = tpu.memref_slice %arg6[%dma_start3A_562, %dma_start3A_563, %dma_start3A_564] : memref<8x200x64xf32, #tpu.memory_space<vmem>> -> memref<1x200x64xf32, #tpu.memory_space<vmem>>
        %dma_start3A_566 = tpu.memref_squeeze %dma_start3A_565 : memref<1x200x64xf32, #tpu.memory_space<vmem>> -> memref<200x64xf32, #tpu.memory_space<vmem>>
        %dma_start3A_567 = arith.constant 0 : i32
        %dma_start3A_568 = tpu.memref_slice %arg5[%add3A_252, %dma_start3A_567] : memref<128x200xi32, #tpu.memory_space<vmem>> -> memref<1x200xi32, #tpu.memory_space<vmem>>
        %dma_start3A_569 = tpu.memref_squeeze %dma_start3A_568 : memref<1x200xi32, #tpu.memory_space<vmem>> -> memref<200xi32, #tpu.memory_space<vmem>>
        %dma_start3A_570 = arith.constant 0 : i32
        %dma_start3A_571 = arith.constant 0 : i32
        %dma_start3A_572 = tpu.memref_slice %arg2[%dma_start3A_570, %dma_start3A_571] : memref<2000000x64xf32, #tpu.memory_space<hbm>> -> memref<2000000x64xf32, #tpu.memory_space<hbm>>
        tpu.enqueue_indirect_dma source(%dma_start3A_572 : memref<2000000x64xf32, #tpu.memory_space<hbm>>) target(%dma_start3A_566 : memref<200x64xf32, #tpu.memory_space<vmem>>) offsets(%dma_start3A_569 : memref<200xi32, #tpu.memory_space<vmem>>) semaphore(%arg14 : memref<!tpu.dma_semaphore, #tpu.memory_space<semaphore_mem>>)
      } else {
      }
      %dma_wait3A_266 = arith.constant 1 : i32
      %dma_wait3A_267 = arith.constant 0 : i32
      %dma_wait3A_268 = arith.constant 0 : i32
      %dma_wait3A_269 = tpu.memref_slice %arg6[%dma_wait3A_266, %dma_wait3A_267, %dma_wait3A_268] : memref<8x200x64xf32, #tpu.memory_space<vmem>> -> memref<1x200x64xf32, #tpu.memory_space<vmem>>
      %dma_wait3A_270 = tpu.memref_squeeze %dma_wait3A_269 : memref<1x200x64xf32, #tpu.memory_space<vmem>> -> memref<200x64xf32, #tpu.memory_space<vmem>>
      %dma_wait3A_271 = arith.constant 0 : i32
      %dma_wait3A_272 = tpu.memref_slice %arg5[%add3A_250, %dma_wait3A_271] : memref<128x200xi32, #tpu.memory_space<vmem>> -> memref<1x200xi32, #tpu.memory_space<vmem>>
      %dma_wait3A_273 = tpu.memref_squeeze %dma_wait3A_272 : memref<1x200xi32, #tpu.memory_space<vmem>> -> memref<200xi32, #tpu.memory_space<vmem>>
      %dma_wait3A_274 = arith.constant 0 : i32
      %dma_wait3A_275 = arith.constant 0 : i32
      %dma_wait3A_276 = tpu.memref_slice %arg2[%dma_wait3A_274, %dma_wait3A_275] : memref<2000000x64xf32, #tpu.memory_space<hbm>> -> memref<2000000x64xf32, #tpu.memory_space<hbm>>
      tpu.wait_indirect_dma semaphore(%arg8 : memref<!tpu.dma_semaphore, #tpu.memory_space<semaphore_mem>>) src(%dma_wait3A_276 : memref<2000000x64xf32, #tpu.memory_space<hbm>>) dst(%dma_wait3A_270 : memref<200x64xf32, #tpu.memory_space<vmem>>)
      %add3A_277 = arith.addi %mul3A_2, %add3A_250 : i32
      %dma_start3A_278 = arith.constant 1 : i32
      %dma_start3A_279 = arith.constant 0 : i32
      %dma_start3A_280 = arith.constant 0 : i32
      %dma_start3A_281 = tpu.memref_slice %arg6[%dma_start3A_278, %dma_start3A_279, %dma_start3A_280] : memref<8x200x64xf32, #tpu.memory_space<vmem>> -> memref<1x200x64xf32, #tpu.memory_space<vmem>>
      %dma_start3A_282 = arith.constant 0 : i32
      %dma_start3A_283 = arith.constant 0 : i32
      %dma_start3A_284 = tpu.memref_slice %arg4[%add3A_277, %dma_start3A_282, %dma_start3A_283] : memref<4096x200x128xf32, #tpu.memory_space<hbm>> -> memref<1x200x64xf32, #tpu.memory_space<hbm>>
      %dma_start3A_285 = arith.constant 0 : i32
      %dma_start3A_286 = arith.constant 0 : i32
      %dma_start3A_287 = tpu.memref_slice %arg4[%add3A_277, %dma_start3A_285, %dma_start3A_286] : memref<4096x200x128xf32, #tpu.memory_space<hbm>> -> memref<1x200x64xf32, #tpu.memory_space<hbm>>
      %dma_start3A_288 = arith.constant 1 : i32
      %dma_start3A_289 = arith.constant 0 : i32
      %dma_start3A_290 = arith.constant 0 : i32
      %dma_start3A_291 = tpu.memref_slice %arg6[%dma_start3A_288, %dma_start3A_289, %dma_start3A_290] : memref<8x200x64xf32, #tpu.memory_space<vmem>> -> memref<1x200x64xf32, #tpu.memory_space<vmem>>
      tpu.enqueue_dma source(%dma_start3A_291 : memref<1x200x64xf32, #tpu.memory_space<vmem>>) target(%dma_start3A_287 : memref<1x200x64xf32, #tpu.memory_space<hbm>>) target_semaphore(%arg16 : memref<!tpu.dma_semaphore, #tpu.memory_space<semaphore_mem>>)
      %mul3A_292 = arith.constant 8 : i32
      %mul3A_293 = arith.muli %mul3A_292, %scan3A_206 : i32
      %add3A_294 = arith.constant 2 : i32
      %add3A_295 = arith.addi %mul3A_293, %add3A_294 : i32
      %add3A_296 = arith.constant 6 : i32
      %add3A_297 = arith.addi %add3A_295, %add3A_296 : i32
      %lt3A_298 = arith.constant 128 : i32
      %lt3A_299 = arith.cmpi slt, %add3A_297, %lt3A_298 : i32
      %ge3A_300 = arith.constant 8 : i32
      %ge3A_301 = arith.cmpi sge, %add3A_297, %ge3A_300 : i32
      %and3A_302 = arith.andi %lt3A_299, %ge3A_301 : i1
      %convert_element_type3A_303 = arith.extui %and3A_302 : i1 to i32
      %cond3A_304 = arith.constant 0 : i32
      %cond3A_305 = arith.cmpi ne, %convert_element_type3A_303, %cond3A_304 : i32
      scf.if %cond3A_305 {
        %add3A_562 = arith.constant 0 : i32
        %add3A_563 = arith.addi %mul3A_2, %add3A_562 : i32
        %dma_wait3A_564 = arith.constant 0 : i32
        %dma_wait3A_565 = arith.constant 0 : i32
        %dma_wait3A_566 = arith.constant 0 : i32
        %dma_wait3A_567 = tpu.memref_slice %arg6[%dma_wait3A_564, %dma_wait3A_565, %dma_wait3A_566] : memref<8x200x64xf32, #tpu.memory_space<vmem>> -> memref<1x200x64xf32, #tpu.memory_space<vmem>>
        %dma_wait3A_568 = arith.constant 0 : i32
        %dma_wait3A_569 = arith.constant 0 : i32
        %dma_wait3A_570 = tpu.memref_slice %arg4[%add3A_563, %dma_wait3A_568, %dma_wait3A_569] : memref<4096x200x128xf32, #tpu.memory_space<hbm>> -> memref<1x200x64xf32, #tpu.memory_space<hbm>>
        %dma_wait3A_571 = arith.constant 0 : i32
        %dma_wait3A_572 = arith.constant 0 : i32
        %dma_wait3A_573 = tpu.memref_slice %arg4[%add3A_563, %dma_wait3A_571, %dma_wait3A_572] : memref<4096x200x128xf32, #tpu.memory_space<hbm>> -> memref<1x200x64xf32, #tpu.memory_space<hbm>>
        %dma_wait3A_574 = arith.constant 0 : i32
        %dma_wait3A_575 = arith.constant 0 : i32
        %dma_wait3A_576 = arith.constant 0 : i32
        %dma_wait3A_577 = tpu.memref_slice %arg6[%dma_wait3A_574, %dma_wait3A_575, %dma_wait3A_576] : memref<8x200x64xf32, #tpu.memory_space<vmem>> -> memref<1x200x64xf32, #tpu.memory_space<vmem>>
        tpu.wait_dma2 semaphore(%arg15 : memref<!tpu.dma_semaphore, #tpu.memory_space<semaphore_mem>>) src(%dma_wait3A_577 : memref<1x200x64xf32, #tpu.memory_space<vmem>>) dst(%dma_wait3A_573 : memref<1x200x64xf32, #tpu.memory_space<hbm>>)
      } else {
      }
      %lt3A_306 = arith.constant 128 : i32
      %lt3A_307 = arith.cmpi slt, %add3A_297, %lt3A_306 : i32
      %convert_element_type3A_308 = arith.extui %lt3A_307 : i1 to i32
      %cond3A_309 = arith.constant 0 : i32
      %cond3A_310 = arith.cmpi ne, %convert_element_type3A_308, %cond3A_309 : i32
      scf.if %cond3A_310 {
        %dma_start3A_562 = arith.constant 0 : i32
        %dma_start3A_563 = arith.constant 0 : i32
        %dma_start3A_564 = arith.constant 0 : i32
        %dma_start3A_565 = tpu.memref_slice %arg6[%dma_start3A_562, %dma_start3A_563, %dma_start3A_564] : memref<8x200x64xf32, #tpu.memory_space<vmem>> -> memref<1x200x64xf32, #tpu.memory_space<vmem>>
        %dma_start3A_566 = tpu.memref_squeeze %dma_start3A_565 : memref<1x200x64xf32, #tpu.memory_space<vmem>> -> memref<200x64xf32, #tpu.memory_space<vmem>>
        %dma_start3A_567 = arith.constant 0 : i32
        %dma_start3A_568 = tpu.memref_slice %arg5[%add3A_297, %dma_start3A_567] : memref<128x200xi32, #tpu.memory_space<vmem>> -> memref<1x200xi32, #tpu.memory_space<vmem>>
        %dma_start3A_569 = tpu.memref_squeeze %dma_start3A_568 : memref<1x200xi32, #tpu.memory_space<vmem>> -> memref<200xi32, #tpu.memory_space<vmem>>
        %dma_start3A_570 = arith.constant 0 : i32
        %dma_start3A_571 = arith.constant 0 : i32
        %dma_start3A_572 = tpu.memref_slice %arg2[%dma_start3A_570, %dma_start3A_571] : memref<2000000x64xf32, #tpu.memory_space<hbm>> -> memref<2000000x64xf32, #tpu.memory_space<hbm>>
        tpu.enqueue_indirect_dma source(%dma_start3A_572 : memref<2000000x64xf32, #tpu.memory_space<hbm>>) target(%dma_start3A_566 : memref<200x64xf32, #tpu.memory_space<vmem>>) offsets(%dma_start3A_569 : memref<200xi32, #tpu.memory_space<vmem>>) semaphore(%arg7 : memref<!tpu.dma_semaphore, #tpu.memory_space<semaphore_mem>>)
      } else {
      }
      %dma_wait3A_311 = arith.constant 2 : i32
      %dma_wait3A_312 = arith.constant 0 : i32
      %dma_wait3A_313 = arith.constant 0 : i32
      %dma_wait3A_314 = tpu.memref_slice %arg6[%dma_wait3A_311, %dma_wait3A_312, %dma_wait3A_313] : memref<8x200x64xf32, #tpu.memory_space<vmem>> -> memref<1x200x64xf32, #tpu.memory_space<vmem>>
      %dma_wait3A_315 = tpu.memref_squeeze %dma_wait3A_314 : memref<1x200x64xf32, #tpu.memory_space<vmem>> -> memref<200x64xf32, #tpu.memory_space<vmem>>
      %dma_wait3A_316 = arith.constant 0 : i32
      %dma_wait3A_317 = tpu.memref_slice %arg5[%add3A_295, %dma_wait3A_316] : memref<128x200xi32, #tpu.memory_space<vmem>> -> memref<1x200xi32, #tpu.memory_space<vmem>>
      %dma_wait3A_318 = tpu.memref_squeeze %dma_wait3A_317 : memref<1x200xi32, #tpu.memory_space<vmem>> -> memref<200xi32, #tpu.memory_space<vmem>>
      %dma_wait3A_319 = arith.constant 0 : i32
      %dma_wait3A_320 = arith.constant 0 : i32
      %dma_wait3A_321 = tpu.memref_slice %arg2[%dma_wait3A_319, %dma_wait3A_320] : memref<2000000x64xf32, #tpu.memory_space<hbm>> -> memref<2000000x64xf32, #tpu.memory_space<hbm>>
      tpu.wait_indirect_dma semaphore(%arg9 : memref<!tpu.dma_semaphore, #tpu.memory_space<semaphore_mem>>) src(%dma_wait3A_321 : memref<2000000x64xf32, #tpu.memory_space<hbm>>) dst(%dma_wait3A_315 : memref<200x64xf32, #tpu.memory_space<vmem>>)
      %add3A_322 = arith.addi %mul3A_2, %add3A_295 : i32
      %dma_start3A_323 = arith.constant 2 : i32
      %dma_start3A_324 = arith.constant 0 : i32
      %dma_start3A_325 = arith.constant 0 : i32
      %dma_start3A_326 = tpu.memref_slice %arg6[%dma_start3A_323, %dma_start3A_324, %dma_start3A_325] : memref<8x200x64xf32, #tpu.memory_space<vmem>> -> memref<1x200x64xf32, #tpu.memory_space<vmem>>
      %dma_start3A_327 = arith.constant 0 : i32
      %dma_start3A_328 = arith.constant 0 : i32
      %dma_start3A_329 = tpu.memref_slice %arg4[%add3A_322, %dma_start3A_327, %dma_start3A_328] : memref<4096x200x128xf32, #tpu.memory_space<hbm>> -> memref<1x200x64xf32, #tpu.memory_space<hbm>>
      %dma_start3A_330 = arith.constant 0 : i32
      %dma_start3A_331 = arith.constant 0 : i32
      %dma_start3A_332 = tpu.memref_slice %arg4[%add3A_322, %dma_start3A_330, %dma_start3A_331] : memref<4096x200x128xf32, #tpu.memory_space<hbm>> -> memref<1x200x64xf32, #tpu.memory_space<hbm>>
      %dma_start3A_333 = arith.constant 2 : i32
      %dma_start3A_334 = arith.constant 0 : i32
      %dma_start3A_335 = arith.constant 0 : i32
      %dma_start3A_336 = tpu.memref_slice %arg6[%dma_start3A_333, %dma_start3A_334, %dma_start3A_335] : memref<8x200x64xf32, #tpu.memory_space<vmem>> -> memref<1x200x64xf32, #tpu.memory_space<vmem>>
      tpu.enqueue_dma source(%dma_start3A_336 : memref<1x200x64xf32, #tpu.memory_space<vmem>>) target(%dma_start3A_332 : memref<1x200x64xf32, #tpu.memory_space<hbm>>) target_semaphore(%arg17 : memref<!tpu.dma_semaphore, #tpu.memory_space<semaphore_mem>>)
      %mul3A_337 = arith.constant 8 : i32
      %mul3A_338 = arith.muli %mul3A_337, %scan3A_206 : i32
      %add3A_339 = arith.constant 3 : i32
      %add3A_340 = arith.addi %mul3A_338, %add3A_339 : i32
      %add3A_341 = arith.constant 6 : i32
      %add3A_342 = arith.addi %add3A_340, %add3A_341 : i32
      %lt3A_343 = arith.constant 128 : i32
      %lt3A_344 = arith.cmpi slt, %add3A_342, %lt3A_343 : i32
      %ge3A_345 = arith.constant 8 : i32
      %ge3A_346 = arith.cmpi sge, %add3A_342, %ge3A_345 : i32
      %and3A_347 = arith.andi %lt3A_344, %ge3A_346 : i1
      %convert_element_type3A_348 = arith.extui %and3A_347 : i1 to i32
      %cond3A_349 = arith.constant 0 : i32
      %cond3A_350 = arith.cmpi ne, %convert_element_type3A_348, %cond3A_349 : i32
      scf.if %cond3A_350 {
        %add3A_562 = arith.constant 0 : i32
        %add3A_563 = arith.addi %mul3A_2, %add3A_562 : i32
        %dma_wait3A_564 = arith.constant 1 : i32
        %dma_wait3A_565 = arith.constant 0 : i32
        %dma_wait3A_566 = arith.constant 0 : i32
        %dma_wait3A_567 = tpu.memref_slice %arg6[%dma_wait3A_564, %dma_wait3A_565, %dma_wait3A_566] : memref<8x200x64xf32, #tpu.memory_space<vmem>> -> memref<1x200x64xf32, #tpu.memory_space<vmem>>
        %dma_wait3A_568 = arith.constant 0 : i32
        %dma_wait3A_569 = arith.constant 0 : i32
        %dma_wait3A_570 = tpu.memref_slice %arg4[%add3A_563, %dma_wait3A_568, %dma_wait3A_569] : memref<4096x200x128xf32, #tpu.memory_space<hbm>> -> memref<1x200x64xf32, #tpu.memory_space<hbm>>
        %dma_wait3A_571 = arith.constant 0 : i32
        %dma_wait3A_572 = arith.constant 0 : i32
        %dma_wait3A_573 = tpu.memref_slice %arg4[%add3A_563, %dma_wait3A_571, %dma_wait3A_572] : memref<4096x200x128xf32, #tpu.memory_space<hbm>> -> memref<1x200x64xf32, #tpu.memory_space<hbm>>
        %dma_wait3A_574 = arith.constant 1 : i32
        %dma_wait3A_575 = arith.constant 0 : i32
        %dma_wait3A_576 = arith.constant 0 : i32
        %dma_wait3A_577 = tpu.memref_slice %arg6[%dma_wait3A_574, %dma_wait3A_575, %dma_wait3A_576] : memref<8x200x64xf32, #tpu.memory_space<vmem>> -> memref<1x200x64xf32, #tpu.memory_space<vmem>>
        tpu.wait_dma2 semaphore(%arg16 : memref<!tpu.dma_semaphore, #tpu.memory_space<semaphore_mem>>) src(%dma_wait3A_577 : memref<1x200x64xf32, #tpu.memory_space<vmem>>) dst(%dma_wait3A_573 : memref<1x200x64xf32, #tpu.memory_space<hbm>>)
      } else {
      }
      %lt3A_351 = arith.constant 128 : i32
      %lt3A_352 = arith.cmpi slt, %add3A_342, %lt3A_351 : i32
      %convert_element_type3A_353 = arith.extui %lt3A_352 : i1 to i32
      %cond3A_354 = arith.constant 0 : i32
      %cond3A_355 = arith.cmpi ne, %convert_element_type3A_353, %cond3A_354 : i32
      scf.if %cond3A_355 {
        %dma_start3A_562 = arith.constant 1 : i32
        %dma_start3A_563 = arith.constant 0 : i32
        %dma_start3A_564 = arith.constant 0 : i32
        %dma_start3A_565 = tpu.memref_slice %arg6[%dma_start3A_562, %dma_start3A_563, %dma_start3A_564] : memref<8x200x64xf32, #tpu.memory_space<vmem>> -> memref<1x200x64xf32, #tpu.memory_space<vmem>>
        %dma_start3A_566 = tpu.memref_squeeze %dma_start3A_565 : memref<1x200x64xf32, #tpu.memory_space<vmem>> -> memref<200x64xf32, #tpu.memory_space<vmem>>
        %dma_start3A_567 = arith.constant 0 : i32
        %dma_start3A_568 = tpu.memref_slice %arg5[%add3A_342, %dma_start3A_567] : memref<128x200xi32, #tpu.memory_space<vmem>> -> memref<1x200xi32, #tpu.memory_space<vmem>>
        %dma_start3A_569 = tpu.memref_squeeze %dma_start3A_568 : memref<1x200xi32, #tpu.memory_space<vmem>> -> memref<200xi32, #tpu.memory_space<vmem>>
        %dma_start3A_570 = arith.constant 0 : i32
        %dma_start3A_571 = arith.constant 0 : i32
        %dma_start3A_572 = tpu.memref_slice %arg2[%dma_start3A_570, %dma_start3A_571] : memref<2000000x64xf32, #tpu.memory_space<hbm>> -> memref<2000000x64xf32, #tpu.memory_space<hbm>>
        tpu.enqueue_indirect_dma source(%dma_start3A_572 : memref<2000000x64xf32, #tpu.memory_space<hbm>>) target(%dma_start3A_566 : memref<200x64xf32, #tpu.memory_space<vmem>>) offsets(%dma_start3A_569 : memref<200xi32, #tpu.memory_space<vmem>>) semaphore(%arg8 : memref<!tpu.dma_semaphore, #tpu.memory_space<semaphore_mem>>)
      } else {
      }
      %dma_wait3A_356 = arith.constant 3 : i32
      %dma_wait3A_357 = arith.constant 0 : i32
      %dma_wait3A_358 = arith.constant 0 : i32
      %dma_wait3A_359 = tpu.memref_slice %arg6[%dma_wait3A_356, %dma_wait3A_357, %dma_wait3A_358] : memref<8x200x64xf32, #tpu.memory_space<vmem>> -> memref<1x200x64xf32, #tpu.memory_space<vmem>>
      %dma_wait3A_360 = tpu.memref_squeeze %dma_wait3A_359 : memref<1x200x64xf32, #tpu.memory_space<vmem>> -> memref<200x64xf32, #tpu.memory_space<vmem>>
      %dma_wait3A_361 = arith.constant 0 : i32
      %dma_wait3A_362 = tpu.memref_slice %arg5[%add3A_340, %dma_wait3A_361] : memref<128x200xi32, #tpu.memory_space<vmem>> -> memref<1x200xi32, #tpu.memory_space<vmem>>
      %dma_wait3A_363 = tpu.memref_squeeze %dma_wait3A_362 : memref<1x200xi32, #tpu.memory_space<vmem>> -> memref<200xi32, #tpu.memory_space<vmem>>
      %dma_wait3A_364 = arith.constant 0 : i32
      %dma_wait3A_365 = arith.constant 0 : i32
      %dma_wait3A_366 = tpu.memref_slice %arg2[%dma_wait3A_364, %dma_wait3A_365] : memref<2000000x64xf32, #tpu.memory_space<hbm>> -> memref<2000000x64xf32, #tpu.memory_space<hbm>>
      tpu.wait_indirect_dma semaphore(%arg10 : memref<!tpu.dma_semaphore, #tpu.memory_space<semaphore_mem>>) src(%dma_wait3A_366 : memref<2000000x64xf32, #tpu.memory_space<hbm>>) dst(%dma_wait3A_360 : memref<200x64xf32, #tpu.memory_space<vmem>>)
      %add3A_367 = arith.addi %mul3A_2, %add3A_340 : i32
      %dma_start3A_368 = arith.constant 3 : i32
      %dma_start3A_369 = arith.constant 0 : i32
      %dma_start3A_370 = arith.constant 0 : i32
      %dma_start3A_371 = tpu.memref_slice %arg6[%dma_start3A_368, %dma_start3A_369, %dma_start3A_370] : memref<8x200x64xf32, #tpu.memory_space<vmem>> -> memref<1x200x64xf32, #tpu.memory_space<vmem>>
      %dma_start3A_372 = arith.constant 0 : i32
      %dma_start3A_373 = arith.constant 0 : i32
      %dma_start3A_374 = tpu.memref_slice %arg4[%add3A_367, %dma_start3A_372, %dma_start3A_373] : memref<4096x200x128xf32, #tpu.memory_space<hbm>> -> memref<1x200x64xf32, #tpu.memory_space<hbm>>
      %dma_start3A_375 = arith.constant 0 : i32
      %dma_start3A_376 = arith.constant 0 : i32
      %dma_start3A_377 = tpu.memref_slice %arg4[%add3A_367, %dma_start3A_375, %dma_start3A_376] : memref<4096x200x128xf32, #tpu.memory_space<hbm>> -> memref<1x200x64xf32, #tpu.memory_space<hbm>>
      %dma_start3A_378 = arith.constant 3 : i32
      %dma_start3A_379 = arith.constant 0 : i32
      %dma_start3A_380 = arith.constant 0 : i32
      %dma_start3A_381 = tpu.memref_slice %arg6[%dma_start3A_378, %dma_start3A_379, %dma_start3A_380] : memref<8x200x64xf32, #tpu.memory_space<vmem>> -> memref<1x200x64xf32, #tpu.memory_space<vmem>>
      tpu.enqueue_dma source(%dma_start3A_381 : memref<1x200x64xf32, #tpu.memory_space<vmem>>) target(%dma_start3A_377 : memref<1x200x64xf32, #tpu.memory_space<hbm>>) target_semaphore(%arg18 : memref<!tpu.dma_semaphore, #tpu.memory_space<semaphore_mem>>)
      %mul3A_382 = arith.constant 8 : i32
      %mul3A_383 = arith.muli %mul3A_382, %scan3A_206 : i32
      %add3A_384 = arith.constant 4 : i32
      %add3A_385 = arith.addi %mul3A_383, %add3A_384 : i32
      %add3A_386 = arith.constant 6 : i32
      %add3A_387 = arith.addi %add3A_385, %add3A_386 : i32
      %lt3A_388 = arith.constant 128 : i32
      %lt3A_389 = arith.cmpi slt, %add3A_387, %lt3A_388 : i32
      %ge3A_390 = arith.constant 8 : i32
      %ge3A_391 = arith.cmpi sge, %add3A_387, %ge3A_390 : i32
      %and3A_392 = arith.andi %lt3A_389, %ge3A_391 : i1
      %convert_element_type3A_393 = arith.extui %and3A_392 : i1 to i32
      %cond3A_394 = arith.constant 0 : i32
      %cond3A_395 = arith.cmpi ne, %convert_element_type3A_393, %cond3A_394 : i32
      scf.if %cond3A_395 {
        %add3A_562 = arith.constant 0 : i32
        %add3A_563 = arith.addi %mul3A_2, %add3A_562 : i32
        %dma_wait3A_564 = arith.constant 2 : i32
        %dma_wait3A_565 = arith.constant 0 : i32
        %dma_wait3A_566 = arith.constant 0 : i32
        %dma_wait3A_567 = tpu.memref_slice %arg6[%dma_wait3A_564, %dma_wait3A_565, %dma_wait3A_566] : memref<8x200x64xf32, #tpu.memory_space<vmem>> -> memref<1x200x64xf32, #tpu.memory_space<vmem>>
        %dma_wait3A_568 = arith.constant 0 : i32
        %dma_wait3A_569 = arith.constant 0 : i32
        %dma_wait3A_570 = tpu.memref_slice %arg4[%add3A_563, %dma_wait3A_568, %dma_wait3A_569] : memref<4096x200x128xf32, #tpu.memory_space<hbm>> -> memref<1x200x64xf32, #tpu.memory_space<hbm>>
        %dma_wait3A_571 = arith.constant 0 : i32
        %dma_wait3A_572 = arith.constant 0 : i32
        %dma_wait3A_573 = tpu.memref_slice %arg4[%add3A_563, %dma_wait3A_571, %dma_wait3A_572] : memref<4096x200x128xf32, #tpu.memory_space<hbm>> -> memref<1x200x64xf32, #tpu.memory_space<hbm>>
        %dma_wait3A_574 = arith.constant 2 : i32
        %dma_wait3A_575 = arith.constant 0 : i32
        %dma_wait3A_576 = arith.constant 0 : i32
        %dma_wait3A_577 = tpu.memref_slice %arg6[%dma_wait3A_574, %dma_wait3A_575, %dma_wait3A_576] : memref<8x200x64xf32, #tpu.memory_space<vmem>> -> memref<1x200x64xf32, #tpu.memory_space<vmem>>
        tpu.wait_dma2 semaphore(%arg17 : memref<!tpu.dma_semaphore, #tpu.memory_space<semaphore_mem>>) src(%dma_wait3A_577 : memref<1x200x64xf32, #tpu.memory_space<vmem>>) dst(%dma_wait3A_573 : memref<1x200x64xf32, #tpu.memory_space<hbm>>)
      } else {
      }
      %lt3A_396 = arith.constant 128 : i32
      %lt3A_397 = arith.cmpi slt, %add3A_387, %lt3A_396 : i32
      %convert_element_type3A_398 = arith.extui %lt3A_397 : i1 to i32
      %cond3A_399 = arith.constant 0 : i32
      %cond3A_400 = arith.cmpi ne, %convert_element_type3A_398, %cond3A_399 : i32
      scf.if %cond3A_400 {
        %dma_start3A_562 = arith.constant 2 : i32
        %dma_start3A_563 = arith.constant 0 : i32
        %dma_start3A_564 = arith.constant 0 : i32
        %dma_start3A_565 = tpu.memref_slice %arg6[%dma_start3A_562, %dma_start3A_563, %dma_start3A_564] : memref<8x200x64xf32, #tpu.memory_space<vmem>> -> memref<1x200x64xf32, #tpu.memory_space<vmem>>
        %dma_start3A_566 = tpu.memref_squeeze %dma_start3A_565 : memref<1x200x64xf32, #tpu.memory_space<vmem>> -> memref<200x64xf32, #tpu.memory_space<vmem>>
        %dma_start3A_567 = arith.constant 0 : i32
        %dma_start3A_568 = tpu.memref_slice %arg5[%add3A_387, %dma_start3A_567] : memref<128x200xi32, #tpu.memory_space<vmem>> -> memref<1x200xi32, #tpu.memory_space<vmem>>
        %dma_start3A_569 = tpu.memref_squeeze %dma_start3A_568 : memref<1x200xi32, #tpu.memory_space<vmem>> -> memref<200xi32, #tpu.memory_space<vmem>>
        %dma_start3A_570 = arith.constant 0 : i32
        %dma_start3A_571 = arith.constant 0 : i32
        %dma_start3A_572 = tpu.memref_slice %arg2[%dma_start3A_570, %dma_start3A_571] : memref<2000000x64xf32, #tpu.memory_space<hbm>> -> memref<2000000x64xf32, #tpu.memory_space<hbm>>
        tpu.enqueue_indirect_dma source(%dma_start3A_572 : memref<2000000x64xf32, #tpu.memory_space<hbm>>) target(%dma_start3A_566 : memref<200x64xf32, #tpu.memory_space<vmem>>) offsets(%dma_start3A_569 : memref<200xi32, #tpu.memory_space<vmem>>) semaphore(%arg9 : memref<!tpu.dma_semaphore, #tpu.memory_space<semaphore_mem>>)
      } else {
      }
      %dma_wait3A_401 = arith.constant 4 : i32
      %dma_wait3A_402 = arith.constant 0 : i32
      %dma_wait3A_403 = arith.constant 0 : i32
      %dma_wait3A_404 = tpu.memref_slice %arg6[%dma_wait3A_401, %dma_wait3A_402, %dma_wait3A_403] : memref<8x200x64xf32, #tpu.memory_space<vmem>> -> memref<1x200x64xf32, #tpu.memory_space<vmem>>
      %dma_wait3A_405 = tpu.memref_squeeze %dma_wait3A_404 : memref<1x200x64xf32, #tpu.memory_space<vmem>> -> memref<200x64xf32, #tpu.memory_space<vmem>>
      %dma_wait3A_406 = arith.constant 0 : i32
      %dma_wait3A_407 = tpu.memref_slice %arg5[%add3A_385, %dma_wait3A_406] : memref<128x200xi32, #tpu.memory_space<vmem>> -> memref<1x200xi32, #tpu.memory_space<vmem>>
      %dma_wait3A_408 = tpu.memref_squeeze %dma_wait3A_407 : memref<1x200xi32, #tpu.memory_space<vmem>> -> memref<200xi32, #tpu.memory_space<vmem>>
      %dma_wait3A_409 = arith.constant 0 : i32
      %dma_wait3A_410 = arith.constant 0 : i32
      %dma_wait3A_411 = tpu.memref_slice %arg2[%dma_wait3A_409, %dma_wait3A_410] : memref<2000000x64xf32, #tpu.memory_space<hbm>> -> memref<2000000x64xf32, #tpu.memory_space<hbm>>
      tpu.wait_indirect_dma semaphore(%arg11 : memref<!tpu.dma_semaphore, #tpu.memory_space<semaphore_mem>>) src(%dma_wait3A_411 : memref<2000000x64xf32, #tpu.memory_space<hbm>>) dst(%dma_wait3A_405 : memref<200x64xf32, #tpu.memory_space<vmem>>)
      %add3A_412 = arith.addi %mul3A_2, %add3A_385 : i32
      %dma_start3A_413 = arith.constant 4 : i32
      %dma_start3A_414 = arith.constant 0 : i32
      %dma_start3A_415 = arith.constant 0 : i32
      %dma_start3A_416 = tpu.memref_slice %arg6[%dma_start3A_413, %dma_start3A_414, %dma_start3A_415] : memref<8x200x64xf32, #tpu.memory_space<vmem>> -> memref<1x200x64xf32, #tpu.memory_space<vmem>>
      %dma_start3A_417 = arith.constant 0 : i32
      %dma_start3A_418 = arith.constant 0 : i32
      %dma_start3A_419 = tpu.memref_slice %arg4[%add3A_412, %dma_start3A_417, %dma_start3A_418] : memref<4096x200x128xf32, #tpu.memory_space<hbm>> -> memref<1x200x64xf32, #tpu.memory_space<hbm>>
      %dma_start3A_420 = arith.constant 0 : i32
      %dma_start3A_421 = arith.constant 0 : i32
      %dma_start3A_422 = tpu.memref_slice %arg4[%add3A_412, %dma_start3A_420, %dma_start3A_421] : memref<4096x200x128xf32, #tpu.memory_space<hbm>> -> memref<1x200x64xf32, #tpu.memory_space<hbm>>
      %dma_start3A_423 = arith.constant 4 : i32
      %dma_start3A_424 = arith.constant 0 : i32
      %dma_start3A_425 = arith.constant 0 : i32
      %dma_start3A_426 = tpu.memref_slice %arg6[%dma_start3A_423, %dma_start3A_424, %dma_start3A_425] : memref<8x200x64xf32, #tpu.memory_space<vmem>> -> memref<1x200x64xf32, #tpu.memory_space<vmem>>
      tpu.enqueue_dma source(%dma_start3A_426 : memref<1x200x64xf32, #tpu.memory_space<vmem>>) target(%dma_start3A_422 : memref<1x200x64xf32, #tpu.memory_space<hbm>>) target_semaphore(%arg19 : memref<!tpu.dma_semaphore, #tpu.memory_space<semaphore_mem>>)
      %mul3A_427 = arith.constant 8 : i32
      %mul3A_428 = arith.muli %mul3A_427, %scan3A_206 : i32
      %add3A_429 = arith.constant 5 : i32
      %add3A_430 = arith.addi %mul3A_428, %add3A_429 : i32
      %add3A_431 = arith.constant 6 : i32
      %add3A_432 = arith.addi %add3A_430, %add3A_431 : i32
      %lt3A_433 = arith.constant 128 : i32
      %lt3A_434 = arith.cmpi slt, %add3A_432, %lt3A_433 : i32
      %ge3A_435 = arith.constant 8 : i32
      %ge3A_436 = arith.cmpi sge, %add3A_432, %ge3A_435 : i32
      %and3A_437 = arith.andi %lt3A_434, %ge3A_436 : i1
      %convert_element_type3A_438 = arith.extui %and3A_437 : i1 to i32
      %cond3A_439 = arith.constant 0 : i32
      %cond3A_440 = arith.cmpi ne, %convert_element_type3A_438, %cond3A_439 : i32
      scf.if %cond3A_440 {
        %add3A_562 = arith.constant 0 : i32
        %add3A_563 = arith.addi %mul3A_2, %add3A_562 : i32
        %dma_wait3A_564 = arith.constant 3 : i32
        %dma_wait3A_565 = arith.constant 0 : i32
        %dma_wait3A_566 = arith.constant 0 : i32
        %dma_wait3A_567 = tpu.memref_slice %arg6[%dma_wait3A_564, %dma_wait3A_565, %dma_wait3A_566] : memref<8x200x64xf32, #tpu.memory_space<vmem>> -> memref<1x200x64xf32, #tpu.memory_space<vmem>>
        %dma_wait3A_568 = arith.constant 0 : i32
        %dma_wait3A_569 = arith.constant 0 : i32
        %dma_wait3A_570 = tpu.memref_slice %arg4[%add3A_563, %dma_wait3A_568, %dma_wait3A_569] : memref<4096x200x128xf32, #tpu.memory_space<hbm>> -> memref<1x200x64xf32, #tpu.memory_space<hbm>>
        %dma_wait3A_571 = arith.constant 0 : i32
        %dma_wait3A_572 = arith.constant 0 : i32
        %dma_wait3A_573 = tpu.memref_slice %arg4[%add3A_563, %dma_wait3A_571, %dma_wait3A_572] : memref<4096x200x128xf32, #tpu.memory_space<hbm>> -> memref<1x200x64xf32, #tpu.memory_space<hbm>>
        %dma_wait3A_574 = arith.constant 3 : i32
        %dma_wait3A_575 = arith.constant 0 : i32
        %dma_wait3A_576 = arith.constant 0 : i32
        %dma_wait3A_577 = tpu.memref_slice %arg6[%dma_wait3A_574, %dma_wait3A_575, %dma_wait3A_576] : memref<8x200x64xf32, #tpu.memory_space<vmem>> -> memref<1x200x64xf32, #tpu.memory_space<vmem>>
        tpu.wait_dma2 semaphore(%arg18 : memref<!tpu.dma_semaphore, #tpu.memory_space<semaphore_mem>>) src(%dma_wait3A_577 : memref<1x200x64xf32, #tpu.memory_space<vmem>>) dst(%dma_wait3A_573 : memref<1x200x64xf32, #tpu.memory_space<hbm>>)
      } else {
      }
      %lt3A_441 = arith.constant 128 : i32
      %lt3A_442 = arith.cmpi slt, %add3A_432, %lt3A_441 : i32
      %convert_element_type3A_443 = arith.extui %lt3A_442 : i1 to i32
      %cond3A_444 = arith.constant 0 : i32
      %cond3A_445 = arith.cmpi ne, %convert_element_type3A_443, %cond3A_444 : i32
      scf.if %cond3A_445 {
        %dma_start3A_562 = arith.constant 3 : i32
        %dma_start3A_563 = arith.constant 0 : i32
        %dma_start3A_564 = arith.constant 0 : i32
        %dma_start3A_565 = tpu.memref_slice %arg6[%dma_start3A_562, %dma_start3A_563, %dma_start3A_564] : memref<8x200x64xf32, #tpu.memory_space<vmem>> -> memref<1x200x64xf32, #tpu.memory_space<vmem>>
        %dma_start3A_566 = tpu.memref_squeeze %dma_start3A_565 : memref<1x200x64xf32, #tpu.memory_space<vmem>> -> memref<200x64xf32, #tpu.memory_space<vmem>>
        %dma_start3A_567 = arith.constant 0 : i32
        %dma_start3A_568 = tpu.memref_slice %arg5[%add3A_432, %dma_start3A_567] : memref<128x200xi32, #tpu.memory_space<vmem>> -> memref<1x200xi32, #tpu.memory_space<vmem>>
        %dma_start3A_569 = tpu.memref_squeeze %dma_start3A_568 : memref<1x200xi32, #tpu.memory_space<vmem>> -> memref<200xi32, #tpu.memory_space<vmem>>
        %dma_start3A_570 = arith.constant 0 : i32
        %dma_start3A_571 = arith.constant 0 : i32
        %dma_start3A_572 = tpu.memref_slice %arg2[%dma_start3A_570, %dma_start3A_571] : memref<2000000x64xf32, #tpu.memory_space<hbm>> -> memref<2000000x64xf32, #tpu.memory_space<hbm>>
        tpu.enqueue_indirect_dma source(%dma_start3A_572 : memref<2000000x64xf32, #tpu.memory_space<hbm>>) target(%dma_start3A_566 : memref<200x64xf32, #tpu.memory_space<vmem>>) offsets(%dma_start3A_569 : memref<200xi32, #tpu.memory_space<vmem>>) semaphore(%arg10 : memref<!tpu.dma_semaphore, #tpu.memory_space<semaphore_mem>>)
      } else {
      }
      %dma_wait3A_446 = arith.constant 5 : i32
      %dma_wait3A_447 = arith.constant 0 : i32
      %dma_wait3A_448 = arith.constant 0 : i32
      %dma_wait3A_449 = tpu.memref_slice %arg6[%dma_wait3A_446, %dma_wait3A_447, %dma_wait3A_448] : memref<8x200x64xf32, #tpu.memory_space<vmem>> -> memref<1x200x64xf32, #tpu.memory_space<vmem>>
      %dma_wait3A_450 = tpu.memref_squeeze %dma_wait3A_449 : memref<1x200x64xf32, #tpu.memory_space<vmem>> -> memref<200x64xf32, #tpu.memory_space<vmem>>
      %dma_wait3A_451 = arith.constant 0 : i32
      %dma_wait3A_452 = tpu.memref_slice %arg5[%add3A_430, %dma_wait3A_451] : memref<128x200xi32, #tpu.memory_space<vmem>> -> memref<1x200xi32, #tpu.memory_space<vmem>>
      %dma_wait3A_453 = tpu.memref_squeeze %dma_wait3A_452 : memref<1x200xi32, #tpu.memory_space<vmem>> -> memref<200xi32, #tpu.memory_space<vmem>>
      %dma_wait3A_454 = arith.constant 0 : i32
      %dma_wait3A_455 = arith.constant 0 : i32
      %dma_wait3A_456 = tpu.memref_slice %arg2[%dma_wait3A_454, %dma_wait3A_455] : memref<2000000x64xf32, #tpu.memory_space<hbm>> -> memref<2000000x64xf32, #tpu.memory_space<hbm>>
      tpu.wait_indirect_dma semaphore(%arg12 : memref<!tpu.dma_semaphore, #tpu.memory_space<semaphore_mem>>) src(%dma_wait3A_456 : memref<2000000x64xf32, #tpu.memory_space<hbm>>) dst(%dma_wait3A_450 : memref<200x64xf32, #tpu.memory_space<vmem>>)
      %add3A_457 = arith.addi %mul3A_2, %add3A_430 : i32
      %dma_start3A_458 = arith.constant 5 : i32
      %dma_start3A_459 = arith.constant 0 : i32
      %dma_start3A_460 = arith.constant 0 : i32
      %dma_start3A_461 = tpu.memref_slice %arg6[%dma_start3A_458, %dma_start3A_459, %dma_start3A_460] : memref<8x200x64xf32, #tpu.memory_space<vmem>> -> memref<1x200x64xf32, #tpu.memory_space<vmem>>
      %dma_start3A_462 = arith.constant 0 : i32
      %dma_start3A_463 = arith.constant 0 : i32
      %dma_start3A_464 = tpu.memref_slice %arg4[%add3A_457, %dma_start3A_462, %dma_start3A_463] : memref<4096x200x128xf32, #tpu.memory_space<hbm>> -> memref<1x200x64xf32, #tpu.memory_space<hbm>>
      %dma_start3A_465 = arith.constant 0 : i32
      %dma_start3A_466 = arith.constant 0 : i32
      %dma_start3A_467 = tpu.memref_slice %arg4[%add3A_457, %dma_start3A_465, %dma_start3A_466] : memref<4096x200x128xf32, #tpu.memory_space<hbm>> -> memref<1x200x64xf32, #tpu.memory_space<hbm>>
      %dma_start3A_468 = arith.constant 5 : i32
      %dma_start3A_469 = arith.constant 0 : i32
      %dma_start3A_470 = arith.constant 0 : i32
      %dma_start3A_471 = tpu.memref_slice %arg6[%dma_start3A_468, %dma_start3A_469, %dma_start3A_470] : memref<8x200x64xf32, #tpu.memory_space<vmem>> -> memref<1x200x64xf32, #tpu.memory_space<vmem>>
      tpu.enqueue_dma source(%dma_start3A_471 : memref<1x200x64xf32, #tpu.memory_space<vmem>>) target(%dma_start3A_467 : memref<1x200x64xf32, #tpu.memory_space<hbm>>) target_semaphore(%arg20 : memref<!tpu.dma_semaphore, #tpu.memory_space<semaphore_mem>>)
      %mul3A_472 = arith.constant 8 : i32
      %mul3A_473 = arith.muli %mul3A_472, %scan3A_206 : i32
      %add3A_474 = arith.constant 6 : i32
      %add3A_475 = arith.addi %mul3A_473, %add3A_474 : i32
      %add3A_476 = arith.constant 6 : i32
      %add3A_477 = arith.addi %add3A_475, %add3A_476 : i32
      %lt3A_478 = arith.constant 128 : i32
      %lt3A_479 = arith.cmpi slt, %add3A_477, %lt3A_478 : i32
      %ge3A_480 = arith.constant 8 : i32
      %ge3A_481 = arith.cmpi sge, %add3A_477, %ge3A_480 : i32
      %and3A_482 = arith.andi %lt3A_479, %ge3A_481 : i1
      %convert_element_type3A_483 = arith.extui %and3A_482 : i1 to i32
      %cond3A_484 = arith.constant 0 : i32
      %cond3A_485 = arith.cmpi ne, %convert_element_type3A_483, %cond3A_484 : i32
      scf.if %cond3A_485 {
        %add3A_562 = arith.constant 0 : i32
        %add3A_563 = arith.addi %mul3A_2, %add3A_562 : i32
        %dma_wait3A_564 = arith.constant 4 : i32
        %dma_wait3A_565 = arith.constant 0 : i32
        %dma_wait3A_566 = arith.constant 0 : i32
        %dma_wait3A_567 = tpu.memref_slice %arg6[%dma_wait3A_564, %dma_wait3A_565, %dma_wait3A_566] : memref<8x200x64xf32, #tpu.memory_space<vmem>> -> memref<1x200x64xf32, #tpu.memory_space<vmem>>
        %dma_wait3A_568 = arith.constant 0 : i32
        %dma_wait3A_569 = arith.constant 0 : i32
        %dma_wait3A_570 = tpu.memref_slice %arg4[%add3A_563, %dma_wait3A_568, %dma_wait3A_569] : memref<4096x200x128xf32, #tpu.memory_space<hbm>> -> memref<1x200x64xf32, #tpu.memory_space<hbm>>
        %dma_wait3A_571 = arith.constant 0 : i32
        %dma_wait3A_572 = arith.constant 0 : i32
        %dma_wait3A_573 = tpu.memref_slice %arg4[%add3A_563, %dma_wait3A_571, %dma_wait3A_572] : memref<4096x200x128xf32, #tpu.memory_space<hbm>> -> memref<1x200x64xf32, #tpu.memory_space<hbm>>
        %dma_wait3A_574 = arith.constant 4 : i32
        %dma_wait3A_575 = arith.constant 0 : i32
        %dma_wait3A_576 = arith.constant 0 : i32
        %dma_wait3A_577 = tpu.memref_slice %arg6[%dma_wait3A_574, %dma_wait3A_575, %dma_wait3A_576] : memref<8x200x64xf32, #tpu.memory_space<vmem>> -> memref<1x200x64xf32, #tpu.memory_space<vmem>>
        tpu.wait_dma2 semaphore(%arg19 : memref<!tpu.dma_semaphore, #tpu.memory_space<semaphore_mem>>) src(%dma_wait3A_577 : memref<1x200x64xf32, #tpu.memory_space<vmem>>) dst(%dma_wait3A_573 : memref<1x200x64xf32, #tpu.memory_space<hbm>>)
      } else {
      }
      %lt3A_486 = arith.constant 128 : i32
      %lt3A_487 = arith.cmpi slt, %add3A_477, %lt3A_486 : i32
      %convert_element_type3A_488 = arith.extui %lt3A_487 : i1 to i32
      %cond3A_489 = arith.constant 0 : i32
      %cond3A_490 = arith.cmpi ne, %convert_element_type3A_488, %cond3A_489 : i32
      scf.if %cond3A_490 {
        %dma_start3A_562 = arith.constant 4 : i32
        %dma_start3A_563 = arith.constant 0 : i32
        %dma_start3A_564 = arith.constant 0 : i32
        %dma_start3A_565 = tpu.memref_slice %arg6[%dma_start3A_562, %dma_start3A_563, %dma_start3A_564] : memref<8x200x64xf32, #tpu.memory_space<vmem>> -> memref<1x200x64xf32, #tpu.memory_space<vmem>>
        %dma_start3A_566 = tpu.memref_squeeze %dma_start3A_565 : memref<1x200x64xf32, #tpu.memory_space<vmem>> -> memref<200x64xf32, #tpu.memory_space<vmem>>
        %dma_start3A_567 = arith.constant 0 : i32
        %dma_start3A_568 = tpu.memref_slice %arg5[%add3A_477, %dma_start3A_567] : memref<128x200xi32, #tpu.memory_space<vmem>> -> memref<1x200xi32, #tpu.memory_space<vmem>>
        %dma_start3A_569 = tpu.memref_squeeze %dma_start3A_568 : memref<1x200xi32, #tpu.memory_space<vmem>> -> memref<200xi32, #tpu.memory_space<vmem>>
        %dma_start3A_570 = arith.constant 0 : i32
        %dma_start3A_571 = arith.constant 0 : i32
        %dma_start3A_572 = tpu.memref_slice %arg2[%dma_start3A_570, %dma_start3A_571] : memref<2000000x64xf32, #tpu.memory_space<hbm>> -> memref<2000000x64xf32, #tpu.memory_space<hbm>>
        tpu.enqueue_indirect_dma source(%dma_start3A_572 : memref<2000000x64xf32, #tpu.memory_space<hbm>>) target(%dma_start3A_566 : memref<200x64xf32, #tpu.memory_space<vmem>>) offsets(%dma_start3A_569 : memref<200xi32, #tpu.memory_space<vmem>>) semaphore(%arg11 : memref<!tpu.dma_semaphore, #tpu.memory_space<semaphore_mem>>)
      } else {
      }
      %dma_wait3A_491 = arith.constant 6 : i32
      %dma_wait3A_492 = arith.constant 0 : i32
      %dma_wait3A_493 = arith.constant 0 : i32
      %dma_wait3A_494 = tpu.memref_slice %arg6[%dma_wait3A_491, %dma_wait3A_492, %dma_wait3A_493] : memref<8x200x64xf32, #tpu.memory_space<vmem>> -> memref<1x200x64xf32, #tpu.memory_space<vmem>>
      %dma_wait3A_495 = tpu.memref_squeeze %dma_wait3A_494 : memref<1x200x64xf32, #tpu.memory_space<vmem>> -> memref<200x64xf32, #tpu.memory_space<vmem>>
      %dma_wait3A_496 = arith.constant 0 : i32
      %dma_wait3A_497 = tpu.memref_slice %arg5[%add3A_475, %dma_wait3A_496] : memref<128x200xi32, #tpu.memory_space<vmem>> -> memref<1x200xi32, #tpu.memory_space<vmem>>
      %dma_wait3A_498 = tpu.memref_squeeze %dma_wait3A_497 : memref<1x200xi32, #tpu.memory_space<vmem>> -> memref<200xi32, #tpu.memory_space<vmem>>
      %dma_wait3A_499 = arith.constant 0 : i32
      %dma_wait3A_500 = arith.constant 0 : i32
      %dma_wait3A_501 = tpu.memref_slice %arg2[%dma_wait3A_499, %dma_wait3A_500] : memref<2000000x64xf32, #tpu.memory_space<hbm>> -> memref<2000000x64xf32, #tpu.memory_space<hbm>>
      tpu.wait_indirect_dma semaphore(%arg13 : memref<!tpu.dma_semaphore, #tpu.memory_space<semaphore_mem>>) src(%dma_wait3A_501 : memref<2000000x64xf32, #tpu.memory_space<hbm>>) dst(%dma_wait3A_495 : memref<200x64xf32, #tpu.memory_space<vmem>>)
      %add3A_502 = arith.addi %mul3A_2, %add3A_475 : i32
      %dma_start3A_503 = arith.constant 6 : i32
      %dma_start3A_504 = arith.constant 0 : i32
      %dma_start3A_505 = arith.constant 0 : i32
      %dma_start3A_506 = tpu.memref_slice %arg6[%dma_start3A_503, %dma_start3A_504, %dma_start3A_505] : memref<8x200x64xf32, #tpu.memory_space<vmem>> -> memref<1x200x64xf32, #tpu.memory_space<vmem>>
      %dma_start3A_507 = arith.constant 0 : i32
      %dma_start3A_508 = arith.constant 0 : i32
      %dma_start3A_509 = tpu.memref_slice %arg4[%add3A_502, %dma_start3A_507, %dma_start3A_508] : memref<4096x200x128xf32, #tpu.memory_space<hbm>> -> memref<1x200x64xf32, #tpu.memory_space<hbm>>
      %dma_start3A_510 = arith.constant 0 : i32
      %dma_start3A_511 = arith.constant 0 : i32
      %dma_start3A_512 = tpu.memref_slice %arg4[%add3A_502, %dma_start3A_510, %dma_start3A_511] : memref<4096x200x128xf32, #tpu.memory_space<hbm>> -> memref<1x200x64xf32, #tpu.memory_space<hbm>>
      %dma_start3A_513 = arith.constant 6 : i32
      %dma_start3A_514 = arith.constant 0 : i32
      %dma_start3A_515 = arith.constant 0 : i32
      %dma_start3A_516 = tpu.memref_slice %arg6[%dma_start3A_513, %dma_start3A_514, %dma_start3A_515] : memref<8x200x64xf32, #tpu.memory_space<vmem>> -> memref<1x200x64xf32, #tpu.memory_space<vmem>>
      tpu.enqueue_dma source(%dma_start3A_516 : memref<1x200x64xf32, #tpu.memory_space<vmem>>) target(%dma_start3A_512 : memref<1x200x64xf32, #tpu.memory_space<hbm>>) target_semaphore(%arg21 : memref<!tpu.dma_semaphore, #tpu.memory_space<semaphore_mem>>)
      %mul3A_517 = arith.constant 8 : i32
      %mul3A_518 = arith.muli %mul3A_517, %scan3A_206 : i32
      %add3A_519 = arith.constant 7 : i32
      %add3A_520 = arith.addi %mul3A_518, %add3A_519 : i32
      %add3A_521 = arith.constant 6 : i32
      %add3A_522 = arith.addi %add3A_520, %add3A_521 : i32
      %lt3A_523 = arith.constant 128 : i32
      %lt3A_524 = arith.cmpi slt, %add3A_522, %lt3A_523 : i32
      %ge3A_525 = arith.constant 8 : i32
      %ge3A_526 = arith.cmpi sge, %add3A_522, %ge3A_525 : i32
      %and3A_527 = arith.andi %lt3A_524, %ge3A_526 : i1
      %convert_element_type3A_528 = arith.extui %and3A_527 : i1 to i32
      %cond3A_529 = arith.constant 0 : i32
      %cond3A_530 = arith.cmpi ne, %convert_element_type3A_528, %cond3A_529 : i32
      scf.if %cond3A_530 {
        %add3A_562 = arith.constant 0 : i32
        %add3A_563 = arith.addi %mul3A_2, %add3A_562 : i32
        %dma_wait3A_564 = arith.constant 5 : i32
        %dma_wait3A_565 = arith.constant 0 : i32
        %dma_wait3A_566 = arith.constant 0 : i32
        %dma_wait3A_567 = tpu.memref_slice %arg6[%dma_wait3A_564, %dma_wait3A_565, %dma_wait3A_566] : memref<8x200x64xf32, #tpu.memory_space<vmem>> -> memref<1x200x64xf32, #tpu.memory_space<vmem>>
        %dma_wait3A_568 = arith.constant 0 : i32
        %dma_wait3A_569 = arith.constant 0 : i32
        %dma_wait3A_570 = tpu.memref_slice %arg4[%add3A_563, %dma_wait3A_568, %dma_wait3A_569] : memref<4096x200x128xf32, #tpu.memory_space<hbm>> -> memref<1x200x64xf32, #tpu.memory_space<hbm>>
        %dma_wait3A_571 = arith.constant 0 : i32
        %dma_wait3A_572 = arith.constant 0 : i32
        %dma_wait3A_573 = tpu.memref_slice %arg4[%add3A_563, %dma_wait3A_571, %dma_wait3A_572] : memref<4096x200x128xf32, #tpu.memory_space<hbm>> -> memref<1x200x64xf32, #tpu.memory_space<hbm>>
        %dma_wait3A_574 = arith.constant 5 : i32
        %dma_wait3A_575 = arith.constant 0 : i32
        %dma_wait3A_576 = arith.constant 0 : i32
        %dma_wait3A_577 = tpu.memref_slice %arg6[%dma_wait3A_574, %dma_wait3A_575, %dma_wait3A_576] : memref<8x200x64xf32, #tpu.memory_space<vmem>> -> memref<1x200x64xf32, #tpu.memory_space<vmem>>
        tpu.wait_dma2 semaphore(%arg20 : memref<!tpu.dma_semaphore, #tpu.memory_space<semaphore_mem>>) src(%dma_wait3A_577 : memref<1x200x64xf32, #tpu.memory_space<vmem>>) dst(%dma_wait3A_573 : memref<1x200x64xf32, #tpu.memory_space<hbm>>)
      } else {
      }
      %lt3A_531 = arith.constant 128 : i32
      %lt3A_532 = arith.cmpi slt, %add3A_522, %lt3A_531 : i32
      %convert_element_type3A_533 = arith.extui %lt3A_532 : i1 to i32
      %cond3A_534 = arith.constant 0 : i32
      %cond3A_535 = arith.cmpi ne, %convert_element_type3A_533, %cond3A_534 : i32
      scf.if %cond3A_535 {
        %dma_start3A_562 = arith.constant 5 : i32
        %dma_start3A_563 = arith.constant 0 : i32
        %dma_start3A_564 = arith.constant 0 : i32
        %dma_start3A_565 = tpu.memref_slice %arg6[%dma_start3A_562, %dma_start3A_563, %dma_start3A_564] : memref<8x200x64xf32, #tpu.memory_space<vmem>> -> memref<1x200x64xf32, #tpu.memory_space<vmem>>
        %dma_start3A_566 = tpu.memref_squeeze %dma_start3A_565 : memref<1x200x64xf32, #tpu.memory_space<vmem>> -> memref<200x64xf32, #tpu.memory_space<vmem>>
        %dma_start3A_567 = arith.constant 0 : i32
        %dma_start3A_568 = tpu.memref_slice %arg5[%add3A_522, %dma_start3A_567] : memref<128x200xi32, #tpu.memory_space<vmem>> -> memref<1x200xi32, #tpu.memory_space<vmem>>
        %dma_start3A_569 = tpu.memref_squeeze %dma_start3A_568 : memref<1x200xi32, #tpu.memory_space<vmem>> -> memref<200xi32, #tpu.memory_space<vmem>>
        %dma_start3A_570 = arith.constant 0 : i32
        %dma_start3A_571 = arith.constant 0 : i32
        %dma_start3A_572 = tpu.memref_slice %arg2[%dma_start3A_570, %dma_start3A_571] : memref<2000000x64xf32, #tpu.memory_space<hbm>> -> memref<2000000x64xf32, #tpu.memory_space<hbm>>
        tpu.enqueue_indirect_dma source(%dma_start3A_572 : memref<2000000x64xf32, #tpu.memory_space<hbm>>) target(%dma_start3A_566 : memref<200x64xf32, #tpu.memory_space<vmem>>) offsets(%dma_start3A_569 : memref<200xi32, #tpu.memory_space<vmem>>) semaphore(%arg12 : memref<!tpu.dma_semaphore, #tpu.memory_space<semaphore_mem>>)
      } else {
      }
      %dma_wait3A_536 = arith.constant 7 : i32
      %dma_wait3A_537 = arith.constant 0 : i32
      %dma_wait3A_538 = arith.constant 0 : i32
      %dma_wait3A_539 = tpu.memref_slice %arg6[%dma_wait3A_536, %dma_wait3A_537, %dma_wait3A_538] : memref<8x200x64xf32, #tpu.memory_space<vmem>> -> memref<1x200x64xf32, #tpu.memory_space<vmem>>
      %dma_wait3A_540 = tpu.memref_squeeze %dma_wait3A_539 : memref<1x200x64xf32, #tpu.memory_space<vmem>> -> memref<200x64xf32, #tpu.memory_space<vmem>>
      %dma_wait3A_541 = arith.constant 0 : i32
      %dma_wait3A_542 = tpu.memref_slice %arg5[%add3A_520, %dma_wait3A_541] : memref<128x200xi32, #tpu.memory_space<vmem>> -> memref<1x200xi32, #tpu.memory_space<vmem>>
      %dma_wait3A_543 = tpu.memref_squeeze %dma_wait3A_542 : memref<1x200xi32, #tpu.memory_space<vmem>> -> memref<200xi32, #tpu.memory_space<vmem>>
      %dma_wait3A_544 = arith.constant 0 : i32
      %dma_wait3A_545 = arith.constant 0 : i32
      %dma_wait3A_546 = tpu.memref_slice %arg2[%dma_wait3A_544, %dma_wait3A_545] : memref<2000000x64xf32, #tpu.memory_space<hbm>> -> memref<2000000x64xf32, #tpu.memory_space<hbm>>
      tpu.wait_indirect_dma semaphore(%arg14 : memref<!tpu.dma_semaphore, #tpu.memory_space<semaphore_mem>>) src(%dma_wait3A_546 : memref<2000000x64xf32, #tpu.memory_space<hbm>>) dst(%dma_wait3A_540 : memref<200x64xf32, #tpu.memory_space<vmem>>)
      %add3A_547 = arith.addi %mul3A_2, %add3A_520 : i32
      %dma_start3A_548 = arith.constant 7 : i32
      %dma_start3A_549 = arith.constant 0 : i32
      %dma_start3A_550 = arith.constant 0 : i32
      %dma_start3A_551 = tpu.memref_slice %arg6[%dma_start3A_548, %dma_start3A_549, %dma_start3A_550] : memref<8x200x64xf32, #tpu.memory_space<vmem>> -> memref<1x200x64xf32, #tpu.memory_space<vmem>>
      %dma_start3A_552 = arith.constant 0 : i32
      %dma_start3A_553 = arith.constant 0 : i32
      %dma_start3A_554 = tpu.memref_slice %arg4[%add3A_547, %dma_start3A_552, %dma_start3A_553] : memref<4096x200x128xf32, #tpu.memory_space<hbm>> -> memref<1x200x64xf32, #tpu.memory_space<hbm>>
      %dma_start3A_555 = arith.constant 0 : i32
      %dma_start3A_556 = arith.constant 0 : i32
      %dma_start3A_557 = tpu.memref_slice %arg4[%add3A_547, %dma_start3A_555, %dma_start3A_556] : memref<4096x200x128xf32, #tpu.memory_space<hbm>> -> memref<1x200x64xf32, #tpu.memory_space<hbm>>
      %dma_start3A_558 = arith.constant 7 : i32
      %dma_start3A_559 = arith.constant 0 : i32
      %dma_start3A_560 = arith.constant 0 : i32
      %dma_start3A_561 = tpu.memref_slice %arg6[%dma_start3A_558, %dma_start3A_559, %dma_start3A_560] : memref<8x200x64xf32, #tpu.memory_space<vmem>> -> memref<1x200x64xf32, #tpu.memory_space<vmem>>
      tpu.enqueue_dma source(%dma_start3A_561 : memref<1x200x64xf32, #tpu.memory_space<vmem>>) target(%dma_start3A_557 : memref<1x200x64xf32, #tpu.memory_space<hbm>>) target_semaphore(%arg22 : memref<!tpu.dma_semaphore, #tpu.memory_space<semaphore_mem>>)
    }
    %scan3A_78 = arith.constant 16 : i32
    %add3A_79 = arith.constant 0 : i32
    %add3A_80 = arith.addi %mul3A_2, %add3A_79 : i32
    %dma_wait3A = arith.constant 0 : i32
    %dma_wait3A_81 = arith.constant 0 : i32
    %dma_wait3A_82 = arith.constant 0 : i32
    %dma_wait3A_83 = tpu.memref_slice %arg6[%dma_wait3A, %dma_wait3A_81, %dma_wait3A_82] : memref<8x200x64xf32, #tpu.memory_space<vmem>> -> memref<1x200x64xf32, #tpu.memory_space<vmem>>
    %dma_wait3A_84 = arith.constant 0 : i32
    %dma_wait3A_85 = arith.constant 0 : i32
    %dma_wait3A_86 = tpu.memref_slice %arg4[%add3A_80, %dma_wait3A_84, %dma_wait3A_85] : memref<4096x200x128xf32, #tpu.memory_space<hbm>> -> memref<1x200x64xf32, #tpu.memory_space<hbm>>
    %dma_wait3A_87 = arith.constant 0 : i32
    %dma_wait3A_88 = arith.constant 0 : i32
    %dma_wait3A_89 = tpu.memref_slice %arg4[%add3A_80, %dma_wait3A_87, %dma_wait3A_88] : memref<4096x200x128xf32, #tpu.memory_space<hbm>> -> memref<1x200x64xf32, #tpu.memory_space<hbm>>
    %dma_wait3A_90 = arith.constant 0 : i32
    %dma_wait3A_91 = arith.constant 0 : i32
    %dma_wait3A_92 = arith.constant 0 : i32
    %dma_wait3A_93 = tpu.memref_slice %arg6[%dma_wait3A_90, %dma_wait3A_91, %dma_wait3A_92] : memref<8x200x64xf32, #tpu.memory_space<vmem>> -> memref<1x200x64xf32, #tpu.memory_space<vmem>>
    tpu.wait_dma2 semaphore(%arg15 : memref<!tpu.dma_semaphore, #tpu.memory_space<semaphore_mem>>) src(%dma_wait3A_93 : memref<1x200x64xf32, #tpu.memory_space<vmem>>) dst(%dma_wait3A_89 : memref<1x200x64xf32, #tpu.memory_space<hbm>>)
    %add3A_94 = arith.constant 0 : i32
    %add3A_95 = arith.addi %mul3A_2, %add3A_94 : i32
    %dma_wait3A_96 = arith.constant 1 : i32
    %dma_wait3A_97 = arith.constant 0 : i32
    %dma_wait3A_98 = arith.constant 0 : i32
    %dma_wait3A_99 = tpu.memref_slice %arg6[%dma_wait3A_96, %dma_wait3A_97, %dma_wait3A_98] : memref<8x200x64xf32, #tpu.memory_space<vmem>> -> memref<1x200x64xf32, #tpu.memory_space<vmem>>
    %dma_wait3A_100 = arith.constant 0 : i32
    %dma_wait3A_101 = arith.constant 0 : i32
    %dma_wait3A_102 = tpu.memref_slice %arg4[%add3A_95, %dma_wait3A_100, %dma_wait3A_101] : memref<4096x200x128xf32, #tpu.memory_space<hbm>> -> memref<1x200x64xf32, #tpu.memory_space<hbm>>
    %dma_wait3A_103 = arith.constant 0 : i32
    %dma_wait3A_104 = arith.constant 0 : i32
    %dma_wait3A_105 = tpu.memref_slice %arg4[%add3A_95, %dma_wait3A_103, %dma_wait3A_104] : memref<4096x200x128xf32, #tpu.memory_space<hbm>> -> memref<1x200x64xf32, #tpu.memory_space<hbm>>
    %dma_wait3A_106 = arith.constant 1 : i32
    %dma_wait3A_107 = arith.constant 0 : i32
    %dma_wait3A_108 = arith.constant 0 : i32
    %dma_wait3A_109 = tpu.memref_slice %arg6[%dma_wait3A_106, %dma_wait3A_107, %dma_wait3A_108] : memref<8x200x64xf32, #tpu.memory_space<vmem>> -> memref<1x200x64xf32, #tpu.memory_space<vmem>>
    tpu.wait_dma2 semaphore(%arg16 : memref<!tpu.dma_semaphore, #tpu.memory_space<semaphore_mem>>) src(%dma_wait3A_109 : memref<1x200x64xf32, #tpu.memory_space<vmem>>) dst(%dma_wait3A_105 : memref<1x200x64xf32, #tpu.memory_space<hbm>>)
    %add3A_110 = arith.constant 0 : i32
    %add3A_111 = arith.addi %mul3A_2, %add3A_110 : i32
    %dma_wait3A_112 = arith.constant 2 : i32
    %dma_wait3A_113 = arith.constant 0 : i32
    %dma_wait3A_114 = arith.constant 0 : i32
    %dma_wait3A_115 = tpu.memref_slice %arg6[%dma_wait3A_112, %dma_wait3A_113, %dma_wait3A_114] : memref<8x200x64xf32, #tpu.memory_space<vmem>> -> memref<1x200x64xf32, #tpu.memory_space<vmem>>
    %dma_wait3A_116 = arith.constant 0 : i32
    %dma_wait3A_117 = arith.constant 0 : i32
    %dma_wait3A_118 = tpu.memref_slice %arg4[%add3A_111, %dma_wait3A_116, %dma_wait3A_117] : memref<4096x200x128xf32, #tpu.memory_space<hbm>> -> memref<1x200x64xf32, #tpu.memory_space<hbm>>
    %dma_wait3A_119 = arith.constant 0 : i32
    %dma_wait3A_120 = arith.constant 0 : i32
    %dma_wait3A_121 = tpu.memref_slice %arg4[%add3A_111, %dma_wait3A_119, %dma_wait3A_120] : memref<4096x200x128xf32, #tpu.memory_space<hbm>> -> memref<1x200x64xf32, #tpu.memory_space<hbm>>
    %dma_wait3A_122 = arith.constant 2 : i32
    %dma_wait3A_123 = arith.constant 0 : i32
    %dma_wait3A_124 = arith.constant 0 : i32
    %dma_wait3A_125 = tpu.memref_slice %arg6[%dma_wait3A_122, %dma_wait3A_123, %dma_wait3A_124] : memref<8x200x64xf32, #tpu.memory_space<vmem>> -> memref<1x200x64xf32, #tpu.memory_space<vmem>>
    tpu.wait_dma2 semaphore(%arg17 : memref<!tpu.dma_semaphore, #tpu.memory_space<semaphore_mem>>) src(%dma_wait3A_125 : memref<1x200x64xf32, #tpu.memory_space<vmem>>) dst(%dma_wait3A_121 : memref<1x200x64xf32, #tpu.memory_space<hbm>>)
    %add3A_126 = arith.constant 0 : i32
    %add3A_127 = arith.addi %mul3A_2, %add3A_126 : i32
    %dma_wait3A_128 = arith.constant 3 : i32
    %dma_wait3A_129 = arith.constant 0 : i32
    %dma_wait3A_130 = arith.constant 0 : i32
    %dma_wait3A_131 = tpu.memref_slice %arg6[%dma_wait3A_128, %dma_wait3A_129, %dma_wait3A_130] : memref<8x200x64xf32, #tpu.memory_space<vmem>> -> memref<1x200x64xf32, #tpu.memory_space<vmem>>
    %dma_wait3A_132 = arith.constant 0 : i32
    %dma_wait3A_133 = arith.constant 0 : i32
    %dma_wait3A_134 = tpu.memref_slice %arg4[%add3A_127, %dma_wait3A_132, %dma_wait3A_133] : memref<4096x200x128xf32, #tpu.memory_space<hbm>> -> memref<1x200x64xf32, #tpu.memory_space<hbm>>
    %dma_wait3A_135 = arith.constant 0 : i32
    %dma_wait3A_136 = arith.constant 0 : i32
    %dma_wait3A_137 = tpu.memref_slice %arg4[%add3A_127, %dma_wait3A_135, %dma_wait3A_136] : memref<4096x200x128xf32, #tpu.memory_space<hbm>> -> memref<1x200x64xf32, #tpu.memory_space<hbm>>
    %dma_wait3A_138 = arith.constant 3 : i32
    %dma_wait3A_139 = arith.constant 0 : i32
    %dma_wait3A_140 = arith.constant 0 : i32
    %dma_wait3A_141 = tpu.memref_slice %arg6[%dma_wait3A_138, %dma_wait3A_139, %dma_wait3A_140] : memref<8x200x64xf32, #tpu.memory_space<vmem>> -> memref<1x200x64xf32, #tpu.memory_space<vmem>>
    tpu.wait_dma2 semaphore(%arg18 : memref<!tpu.dma_semaphore, #tpu.memory_space<semaphore_mem>>) src(%dma_wait3A_141 : memref<1x200x64xf32, #tpu.memory_space<vmem>>) dst(%dma_wait3A_137 : memref<1x200x64xf32, #tpu.memory_space<hbm>>)
    %add3A_142 = arith.constant 0 : i32
    %add3A_143 = arith.addi %mul3A_2, %add3A_142 : i32
    %dma_wait3A_144 = arith.constant 4 : i32
    %dma_wait3A_145 = arith.constant 0 : i32
    %dma_wait3A_146 = arith.constant 0 : i32
    %dma_wait3A_147 = tpu.memref_slice %arg6[%dma_wait3A_144, %dma_wait3A_145, %dma_wait3A_146] : memref<8x200x64xf32, #tpu.memory_space<vmem>> -> memref<1x200x64xf32, #tpu.memory_space<vmem>>
    %dma_wait3A_148 = arith.constant 0 : i32
    %dma_wait3A_149 = arith.constant 0 : i32
    %dma_wait3A_150 = tpu.memref_slice %arg4[%add3A_143, %dma_wait3A_148, %dma_wait3A_149] : memref<4096x200x128xf32, #tpu.memory_space<hbm>> -> memref<1x200x64xf32, #tpu.memory_space<hbm>>
    %dma_wait3A_151 = arith.constant 0 : i32
    %dma_wait3A_152 = arith.constant 0 : i32
    %dma_wait3A_153 = tpu.memref_slice %arg4[%add3A_143, %dma_wait3A_151, %dma_wait3A_152] : memref<4096x200x128xf32, #tpu.memory_space<hbm>> -> memref<1x200x64xf32, #tpu.memory_space<hbm>>
    %dma_wait3A_154 = arith.constant 4 : i32
    %dma_wait3A_155 = arith.constant 0 : i32
    %dma_wait3A_156 = arith.constant 0 : i32
    %dma_wait3A_157 = tpu.memref_slice %arg6[%dma_wait3A_154, %dma_wait3A_155, %dma_wait3A_156] : memref<8x200x64xf32, #tpu.memory_space<vmem>> -> memref<1x200x64xf32, #tpu.memory_space<vmem>>
    tpu.wait_dma2 semaphore(%arg19 : memref<!tpu.dma_semaphore, #tpu.memory_space<semaphore_mem>>) src(%dma_wait3A_157 : memref<1x200x64xf32, #tpu.memory_space<vmem>>) dst(%dma_wait3A_153 : memref<1x200x64xf32, #tpu.memory_space<hbm>>)
    %add3A_158 = arith.constant 0 : i32
    %add3A_159 = arith.addi %mul3A_2, %add3A_158 : i32
    %dma_wait3A_160 = arith.constant 5 : i32
    %dma_wait3A_161 = arith.constant 0 : i32
    %dma_wait3A_162 = arith.constant 0 : i32
    %dma_wait3A_163 = tpu.memref_slice %arg6[%dma_wait3A_160, %dma_wait3A_161, %dma_wait3A_162] : memref<8x200x64xf32, #tpu.memory_space<vmem>> -> memref<1x200x64xf32, #tpu.memory_space<vmem>>
    %dma_wait3A_164 = arith.constant 0 : i32
    %dma_wait3A_165 = arith.constant 0 : i32
    %dma_wait3A_166 = tpu.memref_slice %arg4[%add3A_159, %dma_wait3A_164, %dma_wait3A_165] : memref<4096x200x128xf32, #tpu.memory_space<hbm>> -> memref<1x200x64xf32, #tpu.memory_space<hbm>>
    %dma_wait3A_167 = arith.constant 0 : i32
    %dma_wait3A_168 = arith.constant 0 : i32
    %dma_wait3A_169 = tpu.memref_slice %arg4[%add3A_159, %dma_wait3A_167, %dma_wait3A_168] : memref<4096x200x128xf32, #tpu.memory_space<hbm>> -> memref<1x200x64xf32, #tpu.memory_space<hbm>>
    %dma_wait3A_170 = arith.constant 5 : i32
    %dma_wait3A_171 = arith.constant 0 : i32
    %dma_wait3A_172 = arith.constant 0 : i32
    %dma_wait3A_173 = tpu.memref_slice %arg6[%dma_wait3A_170, %dma_wait3A_171, %dma_wait3A_172] : memref<8x200x64xf32, #tpu.memory_space<vmem>> -> memref<1x200x64xf32, #tpu.memory_space<vmem>>
    tpu.wait_dma2 semaphore(%arg20 : memref<!tpu.dma_semaphore, #tpu.memory_space<semaphore_mem>>) src(%dma_wait3A_173 : memref<1x200x64xf32, #tpu.memory_space<vmem>>) dst(%dma_wait3A_169 : memref<1x200x64xf32, #tpu.memory_space<hbm>>)
    %add3A_174 = arith.constant 0 : i32
    %add3A_175 = arith.addi %mul3A_2, %add3A_174 : i32
    %dma_wait3A_176 = arith.constant 6 : i32
    %dma_wait3A_177 = arith.constant 0 : i32
    %dma_wait3A_178 = arith.constant 0 : i32
    %dma_wait3A_179 = tpu.memref_slice %arg6[%dma_wait3A_176, %dma_wait3A_177, %dma_wait3A_178] : memref<8x200x64xf32, #tpu.memory_space<vmem>> -> memref<1x200x64xf32, #tpu.memory_space<vmem>>
    %dma_wait3A_180 = arith.constant 0 : i32
    %dma_wait3A_181 = arith.constant 0 : i32
    %dma_wait3A_182 = tpu.memref_slice %arg4[%add3A_175, %dma_wait3A_180, %dma_wait3A_181] : memref<4096x200x128xf32, #tpu.memory_space<hbm>> -> memref<1x200x64xf32, #tpu.memory_space<hbm>>
    %dma_wait3A_183 = arith.constant 0 : i32
    %dma_wait3A_184 = arith.constant 0 : i32
    %dma_wait3A_185 = tpu.memref_slice %arg4[%add3A_175, %dma_wait3A_183, %dma_wait3A_184] : memref<4096x200x128xf32, #tpu.memory_space<hbm>> -> memref<1x200x64xf32, #tpu.memory_space<hbm>>
    %dma_wait3A_186 = arith.constant 6 : i32
    %dma_wait3A_187 = arith.constant 0 : i32
    %dma_wait3A_188 = arith.constant 0 : i32
    %dma_wait3A_189 = tpu.memref_slice %arg6[%dma_wait3A_186, %dma_wait3A_187, %dma_wait3A_188] : memref<8x200x64xf32, #tpu.memory_space<vmem>> -> memref<1x200x64xf32, #tpu.memory_space<vmem>>
    tpu.wait_dma2 semaphore(%arg21 : memref<!tpu.dma_semaphore, #tpu.memory_space<semaphore_mem>>) src(%dma_wait3A_189 : memref<1x200x64xf32, #tpu.memory_space<vmem>>) dst(%dma_wait3A_185 : memref<1x200x64xf32, #tpu.memory_space<hbm>>)
    %add3A_190 = arith.constant 0 : i32
    %add3A_191 = arith.addi %mul3A_2, %add3A_190 : i32
    %dma_wait3A_192 = arith.constant 7 : i32
    %dma_wait3A_193 = arith.constant 0 : i32
    %dma_wait3A_194 = arith.constant 0 : i32
    %dma_wait3A_195 = tpu.memref_slice %arg6[%dma_wait3A_192, %dma_wait3A_193, %dma_wait3A_194] : memref<8x200x64xf32, #tpu.memory_space<vmem>> -> memref<1x200x64xf32, #tpu.memory_space<vmem>>
    %dma_wait3A_196 = arith.constant 0 : i32
    %dma_wait3A_197 = arith.constant 0 : i32
    %dma_wait3A_198 = tpu.memref_slice %arg4[%add3A_191, %dma_wait3A_196, %dma_wait3A_197] : memref<4096x200x128xf32, #tpu.memory_space<hbm>> -> memref<1x200x64xf32, #tpu.memory_space<hbm>>
    %dma_wait3A_199 = arith.constant 0 : i32
    %dma_wait3A_200 = arith.constant 0 : i32
    %dma_wait3A_201 = tpu.memref_slice %arg4[%add3A_191, %dma_wait3A_199, %dma_wait3A_200] : memref<4096x200x128xf32, #tpu.memory_space<hbm>> -> memref<1x200x64xf32, #tpu.memory_space<hbm>>
    %dma_wait3A_202 = arith.constant 7 : i32
    %dma_wait3A_203 = arith.constant 0 : i32
    %dma_wait3A_204 = arith.constant 0 : i32
    %dma_wait3A_205 = tpu.memref_slice %arg6[%dma_wait3A_202, %dma_wait3A_203, %dma_wait3A_204] : memref<8x200x64xf32, #tpu.memory_space<vmem>> -> memref<1x200x64xf32, #tpu.memory_space<vmem>>
    tpu.wait_dma2 semaphore(%arg22 : memref<!tpu.dma_semaphore, #tpu.memory_space<semaphore_mem>>) src(%dma_wait3A_205 : memref<1x200x64xf32, #tpu.memory_space<vmem>>) dst(%dma_wait3A_201 : memref<1x200x64xf32, #tpu.memory_space<hbm>>)
    return
  }
}

</mosaic_0001>

<sc_bundles>
// kernel: kernel.3.cloned.1.call-start
scs
__scs_entry_jumppad:
0x0: {  	(pc) =	sbr.rel $0x88, $3  }
0x1: {  	(tag) =	ssettag $0x0;
	lr =	simm.s32 $0x1  }
0x2: {  	[smem:$0x3F9F] =	sst lr;
	_ =	strace $0xD0000000  }
0x3: {  	_ = 	snop  }
0x4: {  	_ = 	snop  }
0x5: {  	_ = 	snop  }
0x6: {  	_ = 	snop  }
0x7: {  	_ = 	snop  }
__scs_overlays_trampoline_lowered:
0x8: {  	[smem:$0x3FAE] =	sst s0  }
0x9: {  	[smem:$0x3FAF] =	sst s1  }
0xa: {  	[smem:$0x3FB0] =	sst s2  }
0xb: {  	[smem:$0x3FB1] =	sst s3  }
0xc: {  	[smem:$0x3FB2] =	sst s4  }
0xd: {  	[smem:$0x3FB3] =	sst s5  }
0xe: {  	[smem:$0x3FB4] =	sst s6  }
0xf: {  	[smem:$0x3FB5] =	sst s7  }
0x10: {  	[smem:$0x3FB6] =	sst s8  }
0x11: {  	[smem:$0x3FB7] =	sst s9;
	s0 =	simm.s32 @!p0 $0x0  }
0x12: {  	s1 =	sld [smem:$0x3F9D];
	s0 =	simm.s32 @p0 $0x1  }
0x13: {  	[smem:$0x3FB8] =	sst s0;
	s0 =	simm.s32 @!p1 $0x0  }
0x14: {  	s2 =	sld [smem:$0x3F9C];
	s0 =	simm.s32 @p1 $0x1  }
0x15: {  	[smem:$0x3FB9] =	sst s0;
	s0 =	simm.s32 @!p2 $0x0  }
0x16: {  	s3 =	sld [smem:$0x3FDB];
	s0 =	simm.s32 @p2 $0x1  }
0x17: {  	s4 =	simm.s32 $0x1BF5;
	[smem:$0x3FBB] =	sst s0  }
0x18: {  	s0 =	sld [smem:$0x3F9E];
	_ =	swait.ge [sflag:s4], $0x0  }
0x19: {  	s7 =	sld [smem:$0x3F9F]  }
0x1a: {  	s8 =	sadd.s32 $0xFFFFE003, lr  }
0x1b: {  	s9 =	sadd.s32 $0xFFFFFEF7, lr;
	s5 =	simm.s32 $0xFFFFFFFF;
	p2 =	slt.u32 s8, $0xFFFFF086  }
0x1c: {  	p1 =	slt.u32 s9, $0xF7A;
	s5 =	simm.s32 @!p2 $0x0  }
0x1d: {  	s5 =	simm.s32 @p1 $0x1;
	p0 =	seq.s32 s7, s2  }
0x1e: {  	s7 =	smul.u32 @!p0 $0xF7A, s2;
	p2 =	seq.s32 @!p0 s5, $0x0  }
0x1f: {  	s9 =	smul.u32 $0xF7A, s1;
	s8 =	simm.s32 @!p0 $0x1BF5;
	p2 =	por !p2, p0  }
0x20: {  	[sflag:s8] =	ssyncset.s32 @!p0 $0xFFFFF086;
	s6 =	sadd.s32 @!p0 s3, s7;
	s7 =	simm.s32 @!p0 $0x108  }
0x21: {  	s3 =	sadd.s32 s3, s9;
	s6 =	sadd.s32 @!p0 $0x88, s6;
	s7 =	simm.s32 @p2 $0x1082  }
0x22: {  	[simem:s7], [sflag:s8] =	dma.local @!p0 [hbm:s6], $0xF7A  }
0x23: {  	s9 =	sor.u32 $0xD0000000, s2;
	s6 =	simm.s32 $0x108;
	_ =	swait.ge @!p0 [sflag:s8], $0x0  }
0x24: {  	s3 =	sadd.s32 $0x88, s3;
	s6 =	simm.s32 @!p1 $0x1082;
	[sflag:s4] =	ssyncset.s32 $0xFFFFF086  }
0x25: {  	[simem:s6], [sflag:s4] =	dma.local [hbm:s3], $0xF7A  }
0x26: {  	[smem:$0x3F9F] =	sst s1;
	(tag) =	ssettag s2;
	_ =	strace s9  }
0x27: {  	s1 =	sld [smem:$0x3FAF]  }
0x28: {  	s2 =	sld [smem:$0x3FB0]  }
0x29: {  	s4 =	sld [smem:$0x3FB2]  }
0x2a: {  	p0 =	seq.s32 s5, $0x0;
	s5 =	sld [smem:$0x3FB3]  }
0x2b: {  	s6 =	sld [smem:$0x3FB4]  }
0x2c: {  	s7 =	sld [smem:$0x3FB5]  }
0x2d: {  	s3 =	simm.s32 $0x108;
	s8 =	sld [smem:$0x3FB6]  }
0x2e: {  	s3 =	simm.s32 @!p0 $0x1082;
	s9 =	sld [smem:$0x3FB7]  }
0x2f: {  	lr =	sadd.s32 s0, s3;
	s0 =	sld [smem:$0x3FAE]  }
0x30: {  	s3 =	sld [smem:$0x3FB1]  }
0x31: {  	[smem:$0x3FBA] =	sst s10  }
0x32: {  	s10 =	sld [smem:$0x3FB8];
	_ =	sdelay $0x3  }
0x33: {  	p0 =	seq.s32 s10, $0x1;
	s10 =	sld [smem:$0x3FBA];
	_ =	sdelay $0x3  }
0x34: {  	[smem:$0x3FBA] =	sst s10  }
0x35: {  	s10 =	sld [smem:$0x3FB9];
	_ =	sdelay $0x3  }
0x36: {  	p1 =	seq.s32 s10, $0x1;
	s10 =	sld [smem:$0x3FBA];
	_ =	sdelay $0x3  }
0x37: {  	[smem:$0x3FBA] =	sst s10  }
0x38: {  	s10 =	sld [smem:$0x3FBB]  }
0x39: {  	_ = 	snop;
	(pc) =	sbr.ind lr, $3  }
0x3a: {  	_ = 	snop  }
0x3b: {  	_ = 	snop  }
0x3c: {  	p2 =	seq.s32 s10, $0x1;
	s10 =	sld [smem:$0x3FBA]  }
0x3d: {  	_ =	shalt  }
0x3e: {  	_ =	shalt  }
0x3f: {  	_ =	shalt  }
0x40: {  	_ =	shalt  }
0x41: {  	_ =	shalt  }
0x42: {  	_ =	shalt  }
0x43: {  	_ =	shalt  }
0x44: {  	_ =	shalt  }
0x45: {  	_ =	shalt  }
0x46: {  	_ =	shalt  }
0x47: {  	_ =	shalt  }
0x48: {  	_ =	shalt  }
0x49: {  	_ =	shalt  }
0x4a: {  	_ =	shalt  }
0x4b: {  	_ =	shalt  }
0x4c: {  	_ =	shalt  }
0x4d: {  	_ =	shalt  }
0x4e: {  	_ =	shalt  }
0x4f: {  	_ =	shalt  }
0x50: {  	_ =	shalt  }
0x51: {  	_ =	shalt  }
0x52: {  	_ =	shalt  }
0x53: {  	_ =	shalt  }
0x54: {  	_ =	shalt  }
0x55: {  	_ =	shalt  }
0x56: {  	_ =	shalt  }
0x57: {  	_ =	shalt  }
0x58: {  	_ =	shalt  }
0x59: {  	_ =	shalt  }
0x5a: {  	_ =	shalt  }
0x5b: {  	_ =	shalt  }
0x5c: {  	_ =	shalt  }
0x5d: {  	_ =	shalt  }
0x5e: {  	_ =	shalt  }
0x5f: {  	_ =	shalt  }
0x60: {  	_ =	shalt  }
0x61: {  	_ =	shalt  }
0x62: {  	_ =	shalt  }
0x63: {  	_ =	shalt  }
0x64: {  	_ =	shalt  }
0x65: {  	_ =	shalt  }
0x66: {  	_ =	shalt  }
0x67: {  	_ =	shalt  }
0x68: {  	_ =	shalt  }
0x69: {  	_ =	shalt  }
0x6a: {  	_ =	shalt  }
0x6b: {  	_ =	shalt  }
0x6c: {  	_ =	shalt  }
0x6d: {  	_ =	shalt  }
0x6e: {  	_ =	shalt  }
0x6f: {  	_ =	shalt  }
0x70: {  	_ =	shalt  }
0x71: {  	_ =	shalt  }
0x72: {  	_ =	shalt  }
0x73: {  	_ =	shalt  }
0x74: {  	_ =	shalt  }
0x75: {  	_ =	shalt  }
0x76: {  	_ =	shalt  }
0x77: {  	_ =	shalt  }
0x78: {  	_ =	shalt  }
0x79: {  	_ =	shalt  }
0x7a: {  	_ =	shalt  }
0x7b: {  	_ =	shalt  }
0x7c: {  	_ =	shalt  }
0x7d: {  	_ =	shalt  }
0x7e: {  	_ =	shalt  }
0x7f: {  	_ =	shalt  }
0x80: {  	_ =	shalt  }
0x81: {  	_ =	shalt  }
0x82: {  	_ =	shalt  }
0x83: {  	_ =	shalt  }
0x84: {  	_ =	shalt  }
0x85: {  	_ =	shalt  }
0x86: {  	_ =	shalt  }
0x87: {  	_ =	shalt  }
.Lfunc_end0:
.L_simem_size_0:
called_computation.2_lowered:
.L_overlay_start_0:
0x88: {  	s2 =	sld [smem:$0x3FD9]  }
0x89: {  	s3 =	sld [smem:$0x3FFE];
	_ =	sdelay $0x1  }
0x8a: {  	s1 =	srdreg.scid  }
0x8b: {  	s0 =	sand.u32 $0x1, s1  }
0x8c: {  	s17 =	sshll.u32 s0, $0xA;
	s2 =	sadd.s32 s3, s2  }
0x8d: {  	s2 =	sadd.s32 s2, s17  }
0x8e: {  	[smem:$0x3FC6] =	sst s2  }
0x8f: {  	_ = 	snop  }
0x90: {  	s2 =	sld [smem:$0x3FD0];
	(tm) =	ssettm $0x1  }
0x91: {  	s18 =	sld [smem:$0x3FFB];
	_ =	sdelay $0x3  }
0x92: {  	_ =	strace s18  }
0x93: {  	s3 =	sld [smem:$0x3FFC];
	_ =	sdelay $0x3  }
0x94: {  	_ =	strace s3  }
0x95: {  	s3 =	sld [smem:$0x3FFD];
	_ =	sdelay $0x3  }
0x96: {  	_ =	strace s3  }
0x97: {  	_ =	strace $0x8FFFFFFF  }
0x98: {  	s19 =	sld [smem:$0x3FDB];
	_ =	sdelay $0x1  }
0x99: {  	s4 =	simm.s32 $_scs_section_size  }
0x9a: {  	s5 =	simm.s32 $_size__tile_overlayer_lowered;
	s6 =	simm.s32 $_tile_overlayer_lowered  }
0x9b: {  	s22 =	simm.s32 $0x1BFF;
	s21 =	sshll.u32 s6, $0x1;
	s3 =	sadd.s32 s4, s19  }
0x9c: {  	s7 =	simm.s32 $0x0;
	s20 =	sshll.u32 s5, $0x1;
	s5 =	sadd.s32 s21, s3  }
0x9d: {  	[timem:s7], [sflag:s22] =	dma.local [hbm:s5], s20  }
0x9e: {  	_ =	swait.ge [sflag:s22], s20  }
0x9f: {  	s4 =	ssub.s32 $0x0, s20;
	[sflag:s22] =	ssyncset.done $0x0  }
0xa0: {  	[sflag:s22] =	ssyncadd.s32 s4;
	_ =	sdelay $0x1  }
0xa1: {  	s23 =	simm.s32 $0x1B8B  }
0xa2: {  	_ =	swait.ge [sflag:s23], $0x1  }
0xa3: {  	[sflag:s23] =	ssyncset.done $0x0  }
0xa4: {  	s25 =	simm.s32 $0x1B8E;
	s24 =	sld [smem:$0x3FFE];
	[sflag:s23] =	ssyncadd.s32 $0xFFFFFFFF  }
0xa5: {  	s26 =	simm.s32 $execute0_lowered;
	[smem:$0x3FD2] =	sst s25  }
0xa6: {  	s5 =	sshll.u32 s26, $0x1;
	_ =	strace $0x80000049;
	[dreg:$0x1] =	wrdreg $0xFFFFFFFF  }
0xa7: {  	s28 =	simm.s32 $_size_execute0_lowered;
	s3 =	sadd.s32 s3, s5;
	[dreg:$0x0] =	wrdreg $0x0  }
0xa8: {  	s5 =	sshll.u32 s28, $0x1;
	[dreg:$0x2] =	wrdreg s3  }
0xa9: {  	[dreg:$0x3] =	wrdreg s5  }
0xaa: {  	[dreg:$0x4] =	wrdreg $0xC0  }
0xab: {  	_ =	task [dreg:s7], $0x5FFFF  }
0xac: {  	[dreg:$0x1] =	wrdreg $0xFFFFFFFF  }
0xad: {  	[dreg:$0x0] =	wrdreg $0x60  }
0xae: {  	[dreg:$0x2] =	wrdreg s24  }
0xaf: {  	[dreg:$0x3] =	wrdreg s2  }
0xb0: {  	[dreg:$0x4] =	wrdreg $0x9  }
0xb1: {  	_ =	task.clear_ibuf [dreg:s7], $0x5FFFF;
	_ =	strace $0x90000049  }
0xb2: {  	s29 =	simm.s32 $0x9;
	_ =	strace $0x8000004B  }
0xb3: {  	_ =	swait.ge [sflag:s29], $0x1  }
0xb4: {  	[sflag:s29] =	ssyncadd.s32 $0xFFFFFFFF  }
0xb5: {  	_ =	strace $0x9000004B  }
0xb6: {  	_ =	sfence  }
0xb7: {  	s30 =	sld [smem:$0x0];
	_ =	sdelay $0x2  }
0xb8: {  	s31 =	sshll.u32 s1, $0xD;
	s1 =	sshrl.u32 s1, $0x2  }
0xb9: {  	s3 =	sand.u32 $0x4000, s31;
	s1 =	sadd.s32 s1, s30  }
0xba: {  	s0 =	sor.u32 s3, s0;
	s1 =	sshll.u32 s1, $0x11  }
0xbb: {  	s0 =	sor.u32 s1, s0  }
0xbc: {  	s0 =	sadd.s32 $0x8F2B, s0  }
0xbd: {  	[sflag:s0] =	ssyncadd.remote.s32 $0x1  }
0xbe: {  	_ =	sfence.sel $0xFFFF  }
0xbf: {  	[dreg:$0x0] =	wrdreg $0xFFFFFFFF;
	(pc) =	sbr.abs _section_cstart, $3  }
0xc0: {  	[dreg:$0x1] =	wrdreg $0xFFFFFFFF  }
0xc1: {  	_ =	task.clear_ibuf [dreg:s7], $0x2FFFF;
	_ =	strace $0x9FFFFFFF  }
0xc2: {  	(tm) =	ssettm $0x7FFFFFFF  }
0xc3: {  	_ =	shalt  }
tec
execute0_lowered:
.L_overlay_start_1:
0x0: {  	(tag) =	ssettag $0x1  }
0x1: {  	s0 =	srdreg.scid  }
0x2: {  	s1 =	rddreg [dreg:$0x0];
	s9 =	stileid.u32  }
0x3: {  	s2 =	rddreg [dreg:$0x1];
	s5 =	simm.s32 $0x0;
	s10 =	simm.s32 $0x9600  }
0x4: {  	s19 =	simm.s32 $0x19000;
	s20 =	simm.s32 $0x1;
	s21 =	simm.s32 $0x40  }
0x5: {  	s22 =	simm.s32 $0x80;
	s0 =	sand.u32 $0x1, s0;
	s3 =	sshll.u32 s9, $0x8  }
0x6: {  	[smem:$0x7FF] =	sst s5;
	s23 =	sadd.s32 $0xE00, s1;
	s29 =	smul.u32 $0xC8000, s9  }
0x7: {  	s9 =	simm.s32 $0x6400;
	s4 =	sshll.u32 s0, $0x7;
	_ =	strace $0x8000004A  }
0x8: {  	s6 =	ssub.s32 $0x2, s0;
	s0 =	smul.u32 $0x64000, s0;
	s3 =	sor.u32 s4, s3  }
0x9: {  	s7 =	sshrl.u32 s6, $0x1;
	s31 =	sadd.s32 s29, s23;
	s4 =	smul.u32 $0xC80, s3  }
0xa: {  	s8 =	smul.u32 $0x19, s3;
	s24 =	ssub.s32 s6, s7;
	s0 =	sadd.s32 s0, s31  }
0xb: {  	s3 =	sadd.s32 $0xF43600, s1;
	s1 =	smax.u32 s24, $0x1;
	[dreg:$0x9] =	wrdreg s0  }
0xc: {  	s4 =	sadd.s32 s23, s4;
	s2 =	sadd.s32 s2, s8;
	[dreg:$0x8] =	wrdreg s1  }
0xd: {  	s24 =	simm.s32 $0x2;
	s25 =	sadd.s32 $0x61A80, s4;
	[dreg:$0x7] =	wrdreg s2  }
0xe: {  	s8 =	simm.s32 $0xC8;
	s26 =	sadd.s32 $0x60E00, s4;
	[dreg:$0x6] =	wrdreg s25  }
0xf: {  	s23 =	simm.s32 $0x1C200;
	s28 =	sadd.s32 $0x5F500, s4;
	[dreg:$0x5] =	wrdreg s26  }
0x10: {  	s30 =	sadd.s32 $0x60180, s4;
	s2 =	simm.s32 $0x0;
	[dreg:$0x3] =	wrdreg s28  }
0x11: {  	[dreg:$0x4] =	wrdreg s30;
	s25 =	simm.s32 $0x7;
	s26 =	simm.s32 $0x8  }
.LBB2_1:
0x12: {  	[dreg:$0xa] =	wrdreg s2  }
0x13: {  	s0 =	simm.s32 $0x0;
	s1 =	rddreg [dreg:$0x7];
	s7 =	simm.s32 $0x11  }
0x14: {  	[tilespmem:s0], [sflag:$0x11] =	stream.linear.gather [hbm4b:s1+s0], $0x6400, $0x38;
	[tilespmem:$0x1F400] =	vst v63  }
0x15: {  	_ =	swait.ge [sflag:s7], $0x6400  }
0x16: {  	[sflag:s7] =	ssyncset.done $0x0  }
0x17: {  	[sflag:s7] =	ssyncadd.s32 $0xFFFF9C00  }
0x18: {  	[tilespmem:s9], [sflag:$0x1] =	stream.indirect.gather [hbm4b:s3+s8], $0x40, s0, s8, $0xb8;
	[tilespmem:$0x1F400] =	vst v63  }
0x19: {  	_ = 	snop  }
0x1a: {  	[tilespmem:s10], [sflag:$0x2] =	stream.indirect.gather [hbm4b:s3+s8], $0x40, s8, s8, $0xb8;
	[tilespmem:$0x1F400] =	vst v63  }
0x1b: {  	s11 =	simm.s32 $0x190;
	s12 =	simm.s32 $0xC800  }
0x1c: {  	[tilespmem:s12], [sflag:$0x3] =	stream.indirect.gather [hbm4b:s3+s8], $0x40, s11, s8, $0xb8;
	[tilespmem:$0x1F400] =	vst v63  }
0x1d: {  	s13 =	simm.s32 $0x258;
	s14 =	simm.s32 $0xFA00  }
0x1e: {  	[tilespmem:s14], [sflag:$0x4] =	stream.indirect.gather [hbm4b:s3+s8], $0x40, s13, s8, $0xb8;
	[tilespmem:$0x1F400] =	vst v63  }
0x1f: {  	s15 =	simm.s32 $0x320;
	s16 =	simm.s32 $0x12C00;
	p0 =	por $0x1, $0x1  }
0x20: {  	[tilespmem:s16], [sflag:$0x5] =	stream.indirect.gather [hbm4b:s3+s8], $0x40, s15, s8, $0xb8;
	[tilespmem:$0x1F400] =	vst v63  }
0x21: {  	s17 =	simm.s32 $0x3E8;
	s18 =	simm.s32 $0x15E00;
	s0 =	simm.s32 @!p0 $0xF  }
0x22: {  	[tilespmem:s18], [sflag:$0x6] =	stream.indirect.gather [hbm4b:s3+s8], $0x40, s17, s8, $0xb8;
	[tilespmem:$0x1F400] =	vst v63  }
0x23: {  	_ =	swait.ge @!p0 [sflag:s0], $0x3200  }
0x24: {  	[sflag:s0] =	ssyncset.done @!p0 $0x0  }
0x25: {  	s28 =	simm.s32 $0x4B0;
	[sflag:s0] =	ssyncadd.s32 @!p0 $0xFFFFCE00  }
0x26: {  	[tilespmem:s19], [sflag:$0x7] =	stream.indirect.gather [hbm4b:s3+s8], $0x40, s28, s8, $0xb8;
	[tilespmem:$0x1F400] =	vst v63  }
0x27: {  	_ =	swait.ge [sflag:s20], $0x3200  }
0x28: {  	p0 =	por $0x1, $0x1;
	[sflag:s20] =	ssyncset.done $0x0  }
0x29: {  	s0 =	simm.s32 @!p0 $0x10;
	s6 =	rddreg [dreg:$0x9];
	[sflag:s20] =	ssyncadd.s32 $0xFFFFCE00  }
0x2a: {  	[hbm4b:s6+s21] =	stream.strided.scatter [tilespmem:s9], [sflag:$0x9], $0x3200, s22, s21, $0x38;
	[tilespmem:$0x1F400] =	vst v63  }
0x2b: {  	_ =	swait.ge @!p0 [sflag:s0], $0x3200  }
0x2c: {  	[sflag:s0] =	ssyncset.done @!p0 $0x0  }
0x2d: {  	s29 =	simm.s32 $0x578;
	[sflag:s0] =	ssyncadd.s32 @!p0 $0xFFFFCE00  }
0x2e: {  	[tilespmem:s23], [sflag:$0x8] =	stream.indirect.gather [hbm4b:s3+s8], $0x40, s29, s8, $0xb8;
	[tilespmem:$0x1F400] =	vst v63  }
0x2f: {  	_ =	swait.ge [sflag:s24], $0x3200  }
0x30: {  	p0 =	por $0x0, $0x0;
	[sflag:s24] =	ssyncset.done $0x0  }
0x31: {  	s30 =	sadd.s32 $0xC80, s6;
	s1 =	simm.s32 @p0 $0x3;
	[sflag:s24] =	ssyncadd.s32 $0xFFFFCE00  }
0x32: {  	[hbm4b:s30+s21] =	stream.strided.scatter [tilespmem:s10], [sflag:$0xA], $0x3200, s22, s21, $0x38;
	[tilespmem:$0x1F400] =	vst v63  }
0x33: {  	s2 =	simm.s32 @p0 $0xC800;
	_ =	swait.ge @p0 [sflag:s1], $0x3200  }
0x34: {  	s4 =	simm.s32 @p0 $0x80;
	s5 =	simm.s32 @p0 $0x4;
	[sflag:s1] =	ssyncset.done @p0 $0x0  }
0x35: {  	s0 =	rddreg [dreg:$0x3];
	[sflag:s1] =	ssyncadd.s32 @p0 $0xFFFFCE00;
	s1 =	simm.s32 @p0 $0x40  }
0x36: {  	[hbm4b:s0+s1] =	stream.strided.scatter @p0 [tilespmem:s2], [sflag:$0xB], $0x3200, s4, s1, $0x38;
	[tilespmem:$0x1F400] =	vst v63  }
0x37: {  	_ =	swait.ge @p0 [sflag:s5], $0x3200  }
0x38: {  	s2 =	simm.s32 @p0 $0xFA00;
	[sflag:s5] =	ssyncset.done @p0 $0x0  }
0x39: {  	s0 =	rddreg [dreg:$0x4];
	[sflag:s5] =	ssyncadd.s32 @p0 $0xFFFFCE00;
	s5 =	simm.s32 @p0 $0x5  }
0x3a: {  	[hbm4b:s0+s1] =	stream.strided.scatter @p0 [tilespmem:s2], [sflag:$0xC], $0x3200, s4, s1, $0x38;
	[tilespmem:$0x1F400] =	vst v63  }
0x3b: {  	_ =	swait.ge @p0 [sflag:s5], $0x3200  }
0x3c: {  	s2 =	simm.s32 @p0 $0x12C00;
	[sflag:s5] =	ssyncset.done @p0 $0x0  }
0x3d: {  	s0 =	rddreg [dreg:$0x5];
	[sflag:s5] =	ssyncadd.s32 @p0 $0xFFFFCE00;
	s5 =	simm.s32 @p0 $0x6  }
0x3e: {  	[hbm4b:s0+s1] =	stream.strided.scatter @p0 [tilespmem:s2], [sflag:$0xD], $0x3200, s4, s1, $0x38;
	[tilespmem:$0x1F400] =	vst v63  }
0x3f: {  	_ =	swait.ge @p0 [sflag:s5], $0x3200  }
0x40: {  	s2 =	simm.s32 @p0 $0x15E00;
	[sflag:s5] =	ssyncset.done @p0 $0x0  }
0x41: {  	s0 =	rddreg [dreg:$0x6];
	[sflag:s5] =	ssyncadd.s32 @p0 $0xFFFFCE00;
	s5 =	simm.s32 @!p0 $0x9  }
0x42: {  	[hbm4b:s0+s1] =	stream.strided.scatter @p0 [tilespmem:s2], [sflag:$0xE], $0x3200, s4, s1, $0x38;
	[tilespmem:$0x1F400] =	vst v63  }
0x43: {  	_ =	swait.ge @!p0 [sflag:s5], $0x3200  }
0x44: {  	s0 =	simm.s32 @!p0 $0x640;
	s2 =	simm.s32 @!p0 $0xC8;
	[sflag:s5] =	ssyncset.done @!p0 $0x0  }
0x45: {  	s1 =	simm.s32 @!p0 $0x6400;
	s4 =	simm.s32 @!p0 $0x3;
	[sflag:s5] =	ssyncadd.s32 @!p0 $0xFFFFCE00  }
0x46: {  	[tilespmem:s1], [sflag:$0x1] =	stream.indirect.gather @!p0 [hbm4b:s3+s2], $0x40, s0, s2, $0xb8;
	[tilespmem:$0x1F400] =	vst v63  }
0x47: {  	s7 =	simm.s32 @!p0 $0x40;
	_ =	swait.ge @!p0 [sflag:s4], $0x3200  }
0x48: {  	s5 =	sadd.s32 @!p0 $0x1900, s6;
	s0 =	simm.s32 @!p0 $0x80;
	[sflag:s4] =	ssyncset.done @!p0 $0x0  }
0x49: {  	s1 =	simm.s32 @!p0 $0xC800;
	[sflag:s4] =	ssyncadd.s32 @!p0 $0xFFFFCE00;
	s4 =	simm.s32 @!p0 $0xA  }
0x4a: {  	[hbm4b:s5+s7] =	stream.strided.scatter @!p0 [tilespmem:s1], [sflag:$0xB], $0x3200, s0, s7, $0x38;
	[tilespmem:$0x1F400] =	vst v63  }
0x4b: {  	_ =	swait.ge @!p0 [sflag:s4], $0x3200  }
0x4c: {  	s14 =	simm.s32 @!p0 $0x9600;
	[sflag:s4] =	ssyncset.done @!p0 $0x0  }
0x4d: {  	s5 =	simm.s32 @!p0 $0x708;
	[sflag:s4] =	ssyncadd.s32 @!p0 $0xFFFFCE00;
	s4 =	simm.s32 @!p0 $0x4  }
0x4e: {  	[tilespmem:s14], [sflag:$0x2] =	stream.indirect.gather @!p0 [hbm4b:s3+s2], $0x40, s5, s2, $0xb8;
	[tilespmem:$0x1F400] =	vst v63  }
0x4f: {  	_ =	swait.ge @!p0 [sflag:s4], $0x3200  }
0x50: {  	s5 =	sadd.s32 @!p0 $0x2580, s6;
	[sflag:s4] =	ssyncset.done @!p0 $0x0  }
0x51: {  	s14 =	simm.s32 @!p0 $0xFA00;
	[sflag:s4] =	ssyncadd.s32 @!p0 $0xFFFFCE00;
	s4 =	simm.s32 @!p0 $0xB  }
0x52: {  	[hbm4b:s5+s7] =	stream.strided.scatter @!p0 [tilespmem:s14], [sflag:$0xC], $0x3200, s0, s7, $0x38;
	[tilespmem:$0x1F400] =	vst v63  }
0x53: {  	_ =	swait.ge @!p0 [sflag:s4], $0x3200  }
0x54: {  	[sflag:s4] =	ssyncset.done @!p0 $0x0  }
0x55: {  	s5 =	simm.s32 @!p0 $0x7D0;
	[sflag:s4] =	ssyncadd.s32 @!p0 $0xFFFFCE00;
	s4 =	simm.s32 @!p0 $0x5  }
0x56: {  	[tilespmem:s1], [sflag:$0x3] =	stream.indirect.gather @!p0 [hbm4b:s3+s2], $0x40, s5, s2, $0xb8;
	[tilespmem:$0x1F400] =	vst v63  }
0x57: {  	_ =	swait.ge @!p0 [sflag:s4], $0x3200  }
0x58: {  	s1 =	sadd.s32 @!p0 $0x3200, s6;
	[sflag:s4] =	ssyncset.done @!p0 $0x0  }
0x59: {  	s5 =	simm.s32 @!p0 $0x12C00;
	[sflag:s4] =	ssyncadd.s32 @!p0 $0xFFFFCE00;
	s4 =	simm.s32 @!p0 $0xC  }
0x5a: {  	[hbm4b:s1+s7] =	stream.strided.scatter @!p0 [tilespmem:s5], [sflag:$0xD], $0x3200, s0, s7, $0x38;
	[tilespmem:$0x1F400] =	vst v63  }
0x5b: {  	_ =	swait.ge @!p0 [sflag:s4], $0x3200  }
0x5c: {  	[sflag:s4] =	ssyncset.done @!p0 $0x0  }
0x5d: {  	s1 =	simm.s32 @!p0 $0x898;
	[sflag:s4] =	ssyncadd.s32 @!p0 $0xFFFFCE00;
	s4 =	simm.s32 @!p0 $0x6  }
0x5e: {  	[tilespmem:s14], [sflag:$0x4] =	stream.indirect.gather @!p0 [hbm4b:s3+s2], $0x40, s1, s2, $0xb8;
	[tilespmem:$0x1F400] =	vst v63  }
0x5f: {  	_ =	swait.ge @!p0 [sflag:s4], $0x3200  }
0x60: {  	s1 =	sadd.s32 @!p0 $0x3E80, s6;
	[sflag:s4] =	ssyncset.done @!p0 $0x0  }
0x61: {  	s14 =	simm.s32 @!p0 $0x15E00;
	[sflag:s4] =	ssyncadd.s32 @!p0 $0xFFFFCE00;
	s4 =	simm.s32 @!p0 $0xD  }
0x62: {  	[hbm4b:s1+s7] =	stream.strided.scatter @!p0 [tilespmem:s14], [sflag:$0xE], $0x3200, s0, s7, $0x38;
	[tilespmem:$0x1F400] =	vst v63  }
0x63: {  	_ =	swait.ge @!p0 [sflag:s4], $0x3200  }
0x64: {  	[sflag:s4] =	ssyncset.done @!p0 $0x0  }
0x65: {  	s0 =	simm.s32 @!p0 $0x960;
	[sflag:s4] =	ssyncadd.s32 @!p0 $0xFFFFCE00  }
0x66: {  	[tilespmem:s5], [sflag:$0x5] =	stream.indirect.gather @!p0 [hbm4b:s3+s2], $0x40, s0, s2, $0xb8;
	[tilespmem:$0x1F400] =	vst v63  }
0x67: {  	_ =	swait.ge [sflag:s25], $0x3200  }
0x68: {  	p1 =	por $0x0, $0x0;
	[sflag:s25] =	ssyncset.done $0x0  }
0x69: {  	s31 =	sadd.s32 $0x4B00, s6;
	s1 =	simm.s32 @!p0 $0xE;
	[sflag:s25] =	ssyncadd.s32 $0xFFFFCE00  }
0x6a: {  	[hbm4b:s31+s21] =	stream.strided.scatter [tilespmem:s19], [sflag:$0xF], $0x3200, s22, s21, $0x38;
	[tilespmem:$0x1F400] =	vst v63  }
0x6b: {  	s16 =	simm.s32 $0x1900;
	s18 =	simm.s32 $0x3200;
	_ =	swait.ge @!p0 [sflag:s1], $0x3200  }
0x6c: {  	s17 =	sadd.s32 $0x5780, s6;
	s15 =	sadd.s32 $0x6400, s6;
	[sflag:s1] =	ssyncset.done @!p0 $0x0  }
0x6d: {  	s4 =	sadd.s32 $0x6400, s15;
	s0 =	simm.s32 @!p0 $0xA28;
	[sflag:s1] =	ssyncadd.s32 @!p0 $0xFFFFCE00  }
0x6e: {  	[tilespmem:s14], [sflag:$0x6] =	stream.indirect.gather @!p0 [hbm4b:s3+s2], $0x40, s0, s2, $0xb8;
	[tilespmem:$0x1F400] =	vst v63  }
0x6f: {  	s14 =	sadd.s32 $0x5780, s15;
	s2 =	simm.s32 $0x0;
	_ =	swait.ge [sflag:s26], $0x3200  }
.LBB2_2:
0x70: {  	[sflag:s26] =	ssyncset.done $0x0  }
0x71: {  	s0 =	simm.s32 @!p1 $0xF;
	[sflag:s26] =	ssyncadd.s32 $0xFFFFCE00  }
0x72: {  	[hbm4b:s17+s21] =	stream.strided.scatter [tilespmem:s23], [sflag:$0x10], $0x3200, s22, s21, $0x38;
	[tilespmem:$0x1F400] =	vst v63  }
0x73: {  	_ =	swait.ge @!p1 [sflag:s0], $0x3200  }
0x74: {  	s5 =	sshra.s32 s16, $0x2;
	[sflag:s0] =	ssyncset.done @!p1 $0x0  }
0x75: {  	s7 =	sadd.s32 $0x4B0, s5;
	[sflag:s0] =	ssyncadd.s32 @!p1 $0xFFFFCE00  }
0x76: {  	[tilespmem:s19], [sflag:$0x7] =	stream.indirect.gather [hbm4b:s3+s8], $0x40, s7, s8, $0xb8;
	[tilespmem:$0x1F400] =	vst v63  }
0x77: {  	_ =	swait.ge [sflag:s20], $0x3200  }
0x78: {  	p1 =	seq.s32 s16, $0x0;
	[sflag:s20] =	ssyncset.done $0x0  }
0x79: {  	s0 =	simm.s32 @!p1 $0x10;
	[sflag:s20] =	ssyncadd.s32 $0xFFFFCE00  }
0x7a: {  	[hbm4b:s15+s21] =	stream.strided.scatter [tilespmem:s9], [sflag:$0x9], $0x3200, s22, s21, $0x38;
	[tilespmem:$0x1F400] =	vst v63  }
0x7b: {  	_ =	swait.ge @!p1 [sflag:s0], $0x3200  }
0x7c: {  	[sflag:s0] =	ssyncset.done @!p1 $0x0  }
0x7d: {  	s28 =	sadd.s32 $0x578, s5;
	[sflag:s0] =	ssyncadd.s32 @!p1 $0xFFFFCE00  }
0x7e: {  	[tilespmem:s23], [sflag:$0x8] =	stream.indirect.gather [hbm4b:s3+s8], $0x40, s28, s8, $0xb8;
	[tilespmem:$0x1F400] =	vst v63  }
0x7f: {  	s1 =	sadd.s32 $0x5780, s4;
	s30 =	sadd.s32 $0xC80, s15;
	_ =	swait.ge [sflag:s24], $0x3200  }
0x80: {  	s17 =	smov.u32 s14;
	p1 =	seq.s32 s16, $0x17700;
	[sflag:s24] =	ssyncset.done $0x0  }
0x81: {  	s14 =	smov.u32 s1;
	s1 =	simm.s32 @p1 $0x3;
	[sflag:s24] =	ssyncadd.s32 $0xFFFFCE00  }
0x82: {  	[hbm4b:s30+s21] =	stream.strided.scatter [tilespmem:s10], [sflag:$0xA], $0x3200, s22, s21, $0x38;
	[tilespmem:$0x1F400] =	vst v63  }
0x83: {  	s5 =	sshra.s32 @!p1 s16, $0x2;
	s7 =	simm.s32 @p1 $0xC800;
	_ =	swait.ge @p1 [sflag:s1], $0x3200  }
0x84: {  	s11 =	simm.s32 @p1 $0x80;
	s12 =	simm.s32 @p1 $0x4;
	[sflag:s1] =	ssyncset.done @p1 $0x0  }
0x85: {  	s16 =	rddreg [dreg:$0x3];
	[sflag:s1] =	ssyncadd.s32 @p1 $0xFFFFCE00;
	s1 =	simm.s32 @p1 $0x40  }
0x86: {  	[hbm4b:s16+s1] =	stream.strided.scatter @p1 [tilespmem:s7], [sflag:$0xB], $0x3200, s11, s1, $0x38;
	[tilespmem:$0x1F400] =	vst v63  }
0x87: {  	s29 =	smov.u32 s18;
	_ =	swait.ge @p1 [sflag:s12], $0x3200  }
0x88: {  	s16 =	smov.u32 s29;
	s29 =	simm.s32 @p1 $0x5;
	[sflag:s12] =	ssyncset.done @p1 $0x0  }
0x89: {  	s13 =	rddreg [dreg:$0x4];
	[sflag:s12] =	ssyncadd.s32 @p1 $0xFFFFCE00;
	s12 =	simm.s32 @p1 $0xFA00  }
0x8a: {  	[hbm4b:s13+s1] =	stream.strided.scatter @p1 [tilespmem:s12], [sflag:$0xC], $0x3200, s11, s1, $0x38;
	[tilespmem:$0x1F400] =	vst v63  }
0x8b: {  	_ =	swait.ge @p1 [sflag:s29], $0x3200  }
0x8c: {  	s13 =	simm.s32 @p1 $0x12C00;
	[sflag:s29] =	ssyncset.done @p1 $0x0  }
0x8d: {  	s12 =	rddreg [dreg:$0x5];
	[sflag:s29] =	ssyncadd.s32 @p1 $0xFFFFCE00;
	s29 =	simm.s32 @p1 $0x6  }
0x8e: {  	[hbm4b:s12+s1] =	stream.strided.scatter @p1 [tilespmem:s13], [sflag:$0xD], $0x3200, s11, s1, $0x38;
	[tilespmem:$0x1F400] =	vst v63  }
0x8f: {  	_ =	swait.ge @p1 [sflag:s29], $0x3200  }
0x90: {  	s6 =	simm.s32 @!p1 $0x9;
	[sflag:s29] =	ssyncset.done @p1 $0x0  }
0x91: {  	s13 =	simm.s32 @p1 $0x15E00;
	s12 =	rddreg [dreg:$0x6];
	[sflag:s29] =	ssyncadd.s32 @p1 $0xFFFFCE00  }
0x92: {  	[hbm4b:s12+s1] =	stream.strided.scatter @p1 [tilespmem:s13], [sflag:$0xE], $0x3200, s11, s1, $0x38;
	[tilespmem:$0x1F400] =	vst v63  }
0x93: {  	_ =	swait.ge @!p1 [sflag:s6], $0x3200  }
0x94: {  	s0 =	sadd.s32 @!p1 $0x640, s5;
	s29 =	simm.s32 @!p1 $0xC8;
	[sflag:s6] =	ssyncset.done @!p1 $0x0  }
0x95: {  	s1 =	simm.s32 @!p1 $0x6400;
	[sflag:s6] =	ssyncadd.s32 @!p1 $0xFFFFCE00;
	s6 =	simm.s32 @!p1 $0x3  }
0x96: {  	[tilespmem:s1], [sflag:$0x1] =	stream.indirect.gather @!p1 [hbm4b:s3+s29], $0x40, s0, s29, $0xb8;
	[tilespmem:$0x1F400] =	vst v63  }
0x97: {  	s11 =	simm.s32 @!p1 $0xC800;
	_ =	swait.ge @!p1 [sflag:s6], $0x3200  }
0x98: {  	s12 =	sadd.s32 @!p1 $0x1900, s15;
	s1 =	simm.s32 @!p1 $0x80;
	[sflag:s6] =	ssyncset.done @!p1 $0x0  }
0x99: {  	s0 =	simm.s32 @!p1 $0x40;
	[sflag:s6] =	ssyncadd.s32 @!p1 $0xFFFFCE00;
	s6 =	simm.s32 @!p1 $0xA  }
0x9a: {  	[hbm4b:s12+s0] =	stream.strided.scatter @!p1 [tilespmem:s11], [sflag:$0xB], $0x3200, s1, s0, $0x38;
	[tilespmem:$0x1F400] =	vst v63  }
0x9b: {  	_ =	swait.ge @!p1 [sflag:s6], $0x3200  }
0x9c: {  	s31 =	sadd.s32 @!p1 $0x708, s5;
	[sflag:s6] =	ssyncset.done @!p1 $0x0  }
0x9d: {  	s12 =	simm.s32 @!p1 $0x9600;
	[sflag:s6] =	ssyncadd.s32 @!p1 $0xFFFFCE00;
	s6 =	simm.s32 @!p1 $0x4  }
0x9e: {  	[tilespmem:s12], [sflag:$0x2] =	stream.indirect.gather @!p1 [hbm4b:s3+s29], $0x40, s31, s29, $0xb8;
	[tilespmem:$0x1F400] =	vst v63  }
0x9f: {  	_ =	swait.ge @!p1 [sflag:s6], $0x3200  }
0xa0: {  	s13 =	simm.s32 @!p1 $0xFA00;
	[sflag:s6] =	ssyncset.done @!p1 $0x0  }
0xa1: {  	s12 =	sadd.s32 @!p1 $0x2580, s15;
	[sflag:s6] =	ssyncadd.s32 @!p1 $0xFFFFCE00;
	s6 =	simm.s32 @!p1 $0xB  }
0xa2: {  	[hbm4b:s12+s0] =	stream.strided.scatter @!p1 [tilespmem:s13], [sflag:$0xC], $0x3200, s1, s0, $0x38;
	[tilespmem:$0x1F400] =	vst v63  }
0xa3: {  	_ =	swait.ge @!p1 [sflag:s6], $0x3200  }
0xa4: {  	[sflag:s6] =	ssyncset.done @!p1 $0x0  }
0xa5: {  	s30 =	sadd.s32 @!p1 $0x7D0, s5;
	[sflag:s6] =	ssyncadd.s32 @!p1 $0xFFFFCE00;
	s6 =	simm.s32 @!p1 $0x5  }
0xa6: {  	[tilespmem:s11], [sflag:$0x3] =	stream.indirect.gather @!p1 [hbm4b:s3+s29], $0x40, s30, s29, $0xb8;
	[tilespmem:$0x1F400] =	vst v63  }
0xa7: {  	_ =	swait.ge @!p1 [sflag:s6], $0x3200  }
0xa8: {  	s12 =	simm.s32 @!p1 $0x12C00;
	[sflag:s6] =	ssyncset.done @!p1 $0x0  }
0xa9: {  	s11 =	sadd.s32 @!p1 $0x3200, s15;
	[sflag:s6] =	ssyncadd.s32 @!p1 $0xFFFFCE00;
	s6 =	simm.s32 @!p1 $0xC  }
0xaa: {  	[hbm4b:s11+s0] =	stream.strided.scatter @!p1 [tilespmem:s12], [sflag:$0xD], $0x3200, s1, s0, $0x38;
	[tilespmem:$0x1F400] =	vst v63  }
0xab: {  	_ =	swait.ge @!p1 [sflag:s6], $0x3200  }
0xac: {  	[sflag:s6] =	ssyncset.done @!p1 $0x0  }
0xad: {  	s28 =	sadd.s32 @!p1 $0x898, s5;
	[sflag:s6] =	ssyncadd.s32 @!p1 $0xFFFFCE00;
	s6 =	simm.s32 @!p1 $0x6  }
0xae: {  	[tilespmem:s13], [sflag:$0x4] =	stream.indirect.gather @!p1 [hbm4b:s3+s29], $0x40, s28, s29, $0xb8;
	[tilespmem:$0x1F400] =	vst v63  }
0xaf: {  	_ =	swait.ge @!p1 [sflag:s6], $0x3200  }
0xb0: {  	s11 =	sadd.s32 @!p1 $0x3E80, s15;
	[sflag:s6] =	ssyncset.done @!p1 $0x0  }
0xb1: {  	s13 =	simm.s32 @!p1 $0x15E00;
	[sflag:s6] =	ssyncadd.s32 @!p1 $0xFFFFCE00;
	s6 =	simm.s32 @!p1 $0xD  }
0xb2: {  	[hbm4b:s11+s0] =	stream.strided.scatter @!p1 [tilespmem:s13], [sflag:$0xE], $0x3200, s1, s0, $0x38;
	[tilespmem:$0x1F400] =	vst v63  }
0xb3: {  	_ =	swait.ge @!p1 [sflag:s6], $0x3200  }
0xb4: {  	[sflag:s6] =	ssyncset.done @!p1 $0x0  }
0xb5: {  	s7 =	sadd.s32 @!p1 $0x960, s5;
	[sflag:s6] =	ssyncadd.s32 @!p1 $0xFFFFCE00  }
0xb6: {  	[tilespmem:s12], [sflag:$0x5] =	stream.indirect.gather @!p1 [hbm4b:s3+s29], $0x40, s7, s29, $0xb8;
	[tilespmem:$0x1F400] =	vst v63  }
0xb7: {  	s18 =	sadd.s32 $0x1900, s18;
	_ =	swait.ge [sflag:s25], $0x3200  }
0xb8: {  	p0 =	sne.s32 s18, $0x19000;
	[sflag:s25] =	ssyncset.done $0x0  }
0xb9: {  	s31 =	sadd.s32 $0x4B00, s15;
	s1 =	simm.s32 @!p1 $0xE;
	[sflag:s25] =	ssyncadd.s32 $0xFFFFCE00  }
0xba: {  	[hbm4b:s31+s21] =	stream.strided.scatter [tilespmem:s19], [sflag:$0xF], $0x3200, s22, s21, $0x38;
	[tilespmem:$0x1F400] =	vst v63  }
.Ltmp0:
0xbb: {  	_ =	swait.ge @!p1 [sflag:s1], $0x3200;
	(pc) =	sbr.rel @p0 .LBB2_2-.Ltmp0, $4  }
0xbc: {  	s2 =	sadd.s32 $0x8, s2;
	[sflag:s1] =	ssyncset.done @!p1 $0x0  }
0xbd: {  	s5 =	sadd.s32 @!p1 $0xA28, s5;
	s15 =	smov.u32 s4;
	[sflag:s1] =	ssyncadd.s32 @!p1 $0xFFFFCE00  }
0xbe: {  	[tilespmem:s13], [sflag:$0x6] =	stream.indirect.gather @!p1 [hbm4b:s3+s29], $0x40, s5, s29, $0xb8;
	[tilespmem:$0x1F400] =	vst v63  }
0xbf: {  	s4 =	sadd.s32 $0x6400, s4;
	p1 =	sgt.u32 s2, $0x77;
	_ =	swait.ge [sflag:s26], $0x3200  }
0xc0: {  	[sflag:s26] =	ssyncset.done $0x0  }
0xc1: {  	s0 =	simm.s32 @!p1 $0xF;
	[sflag:s26] =	ssyncadd.s32 $0xFFFFCE00  }
0xc2: {  	[hbm4b:s17+s21] =	stream.strided.scatter [tilespmem:s23], [sflag:$0x10], $0x3200, s22, s21, $0x38;
	[tilespmem:$0x1F400] =	vst v63  }
0xc3: {  	_ =	swait.ge @!p1 [sflag:s0], $0x3200  }
0xc4: {  	s1 =	sshra.s32 s16, $0x2;
	[sflag:s0] =	ssyncset.done @!p1 $0x0  }
0xc5: {  	s2 =	sadd.s32 $0x4B0, s1;
	[sflag:s0] =	ssyncadd.s32 @!p1 $0xFFFFCE00  }
0xc6: {  	[tilespmem:s19], [sflag:$0x7] =	stream.indirect.gather [hbm4b:s3+s8], $0x40, s2, s8, $0xb8;
	[tilespmem:$0x1F400] =	vst v63  }
0xc7: {  	_ =	swait.ge [sflag:s20], $0x3200  }
0xc8: {  	p0 =	seq.s32 s16, $0x0;
	[sflag:s20] =	ssyncset.done $0x0  }
0xc9: {  	s0 =	simm.s32 @!p0 $0x10;
	[sflag:s20] =	ssyncadd.s32 $0xFFFFCE00  }
0xca: {  	[hbm4b:s15+s21] =	stream.strided.scatter [tilespmem:s9], [sflag:$0x9], $0x3200, s22, s21, $0x38;
	[tilespmem:$0x1F400] =	vst v63  }
0xcb: {  	_ =	swait.ge @!p0 [sflag:s0], $0x3200  }
0xcc: {  	[sflag:s0] =	ssyncset.done @!p0 $0x0  }
0xcd: {  	s1 =	sadd.s32 $0x578, s1;
	[sflag:s0] =	ssyncadd.s32 @!p0 $0xFFFFCE00  }
0xce: {  	[tilespmem:s23], [sflag:$0x8] =	stream.indirect.gather [hbm4b:s3+s8], $0x40, s1, s8, $0xb8;
	[tilespmem:$0x1F400] =	vst v63  }
0xcf: {  	_ =	swait.ge [sflag:s24], $0x3200  }
0xd0: {  	p0 =	seq.s32 s16, $0x17700;
	[sflag:s24] =	ssyncset.done $0x0  }
0xd1: {  	s11 =	sadd.s32 $0xC80, s15;
	s1 =	simm.s32 @p0 $0x3;
	[sflag:s24] =	ssyncadd.s32 $0xFFFFCE00  }
0xd2: {  	[hbm4b:s11+s21] =	stream.strided.scatter [tilespmem:s10], [sflag:$0xA], $0x3200, s22, s21, $0x38;
	[tilespmem:$0x1F400] =	vst v63  }
0xd3: {  	s2 =	simm.s32 @p0 $0xC800;
	_ =	swait.ge @p0 [sflag:s1], $0x3200  }
0xd4: {  	s4 =	simm.s32 @p0 $0x80;
	s5 =	simm.s32 @p0 $0x4;
	[sflag:s1] =	ssyncset.done @p0 $0x0  }
0xd5: {  	s0 =	rddreg [dreg:$0x3];
	[sflag:s1] =	ssyncadd.s32 @p0 $0xFFFFCE00;
	s1 =	simm.s32 @p0 $0x40  }
0xd6: {  	[hbm4b:s0+s1] =	stream.strided.scatter @p0 [tilespmem:s2], [sflag:$0xB], $0x3200, s4, s1, $0x38;
	[tilespmem:$0x1F400] =	vst v63  }
0xd7: {  	_ =	swait.ge @p0 [sflag:s5], $0x3200  }
0xd8: {  	s2 =	simm.s32 @p0 $0xFA00;
	[sflag:s5] =	ssyncset.done @p0 $0x0  }
0xd9: {  	s0 =	rddreg [dreg:$0x4];
	[sflag:s5] =	ssyncadd.s32 @p0 $0xFFFFCE00;
	s5 =	simm.s32 @p0 $0x5  }
0xda: {  	[hbm4b:s0+s1] =	stream.strided.scatter @p0 [tilespmem:s2], [sflag:$0xC], $0x3200, s4, s1, $0x38;
	[tilespmem:$0x1F400] =	vst v63  }
0xdb: {  	_ =	swait.ge @p0 [sflag:s5], $0x3200  }
0xdc: {  	s2 =	simm.s32 @p0 $0x12C00;
	[sflag:s5] =	ssyncset.done @p0 $0x0  }
0xdd: {  	s0 =	rddreg [dreg:$0x5];
	[sflag:s5] =	ssyncadd.s32 @p0 $0xFFFFCE00;
	s5 =	simm.s32 @p0 $0x6  }
0xde: {  	[hbm4b:s0+s1] =	stream.strided.scatter @p0 [tilespmem:s2], [sflag:$0xD], $0x3200, s4, s1, $0x38;
	[tilespmem:$0x1F400] =	vst v63  }
0xdf: {  	_ =	swait.ge @p0 [sflag:s5], $0x3200  }
0xe0: {  	s2 =	simm.s32 @p0 $0x15E00;
	[sflag:s5] =	ssyncset.done @p0 $0x0  }
0xe1: {  	s0 =	rddreg [dreg:$0x6];
	[sflag:s5] =	ssyncadd.s32 @p0 $0xFFFFCE00;
	s5 =	simm.s32 @!p0 $0x9  }
0xe2: {  	[hbm4b:s0+s1] =	stream.strided.scatter @p0 [tilespmem:s2], [sflag:$0xE], $0x3200, s4, s1, $0x38;
	[tilespmem:$0x1F400] =	vst v63  }
0xe3: {  	s2 =	sshra.s32 @!p0 s16, $0x2;
	_ =	swait.ge @!p0 [sflag:s5], $0x3200  }
0xe4: {  	s1 =	simm.s32 @!p0 $0xC8;
	s4 =	simm.s32 @!p0 $0x6400;
	[sflag:s5] =	ssyncset.done @!p0 $0x0  }
0xe5: {  	s0 =	sadd.s32 @!p0 $0x640, s2;
	[sflag:s5] =	ssyncadd.s32 @!p0 $0xFFFFCE00;
	s5 =	simm.s32 @!p0 $0x3  }
0xe6: {  	[tilespmem:s4], [sflag:$0x1] =	stream.indirect.gather @!p0 [hbm4b:s3+s1], $0x40, s0, s1, $0xb8;
	[tilespmem:$0x1F400] =	vst v63  }
0xe7: {  	s6 =	sadd.s32 @!p0 $0x1900, s15;
	_ =	swait.ge @!p0 [sflag:s5], $0x3200  }
0xe8: {  	s7 =	simm.s32 @!p0 $0x40;
	s0 =	simm.s32 @!p0 $0x80;
	[sflag:s5] =	ssyncset.done @!p0 $0x0  }
0xe9: {  	s4 =	simm.s32 @!p0 $0xC800;
	[sflag:s5] =	ssyncadd.s32 @!p0 $0xFFFFCE00;
	s5 =	simm.s32 @!p0 $0xA  }
0xea: {  	[hbm4b:s6+s7] =	stream.strided.scatter @!p0 [tilespmem:s4], [sflag:$0xB], $0x3200, s0, s7, $0x38;
	[tilespmem:$0x1F400] =	vst v63  }
0xeb: {  	_ =	swait.ge @!p0 [sflag:s5], $0x3200  }
0xec: {  	[sflag:s5] =	ssyncset.done @!p0 $0x0  }
0xed: {  	s6 =	sadd.s32 @!p0 $0x708, s2;
	[sflag:s5] =	ssyncadd.s32 @!p0 $0xFFFFCE00;
	s5 =	simm.s32 @!p0 $0x9600  }
0xee: {  	[tilespmem:s5], [sflag:$0x2] =	stream.indirect.gather @!p0 [hbm4b:s3+s1], $0x40, s6, s1, $0xb8;
	[tilespmem:$0x1F400] =	vst v63  }
0xef: {  	s5 =	simm.s32 @!p0 $0x4  }
0xf0: {  	_ =	swait.ge @!p0 [sflag:s5], $0x3200  }
0xf1: {  	[sflag:s5] =	ssyncset.done @!p0 $0x0  }
0xf2: {  	s6 =	sadd.s32 @!p0 $0x2580, s15;
	[sflag:s5] =	ssyncadd.s32 @!p0 $0xFFFFCE00;
	s5 =	simm.s32 @!p0 $0xFA00  }
0xf3: {  	[hbm4b:s6+s7] =	stream.strided.scatter @!p0 [tilespmem:s5], [sflag:$0xC], $0x3200, s0, s7, $0x38;
	[tilespmem:$0x1F400] =	vst v63  }
0xf4: {  	s6 =	simm.s32 @!p0 $0xB  }
0xf5: {  	_ =	swait.ge @!p0 [sflag:s6], $0x3200  }
0xf6: {  	[sflag:s6] =	ssyncset.done @!p0 $0x0  }
0xf7: {  	[sflag:s6] =	ssyncadd.s32 @!p0 $0xFFFFCE00;
	s6 =	sadd.s32 @!p0 $0x7D0, s2  }
0xf8: {  	[tilespmem:s4], [sflag:$0x3] =	stream.indirect.gather @!p0 [hbm4b:s3+s1], $0x40, s6, s1, $0xb8;
	[tilespmem:$0x1F400] =	vst v63  }
0xf9: {  	s4 =	simm.s32 @!p0 $0x5  }
0xfa: {  	_ =	swait.ge @!p0 [sflag:s4], $0x3200  }
0xfb: {  	[sflag:s4] =	ssyncset.done @!p0 $0x0  }
0xfc: {  	s6 =	sadd.s32 @!p0 $0x3200, s15;
	[sflag:s4] =	ssyncadd.s32 @!p0 $0xFFFFCE00;
	s4 =	simm.s32 @!p0 $0x12C00  }
0xfd: {  	[hbm4b:s6+s7] =	stream.strided.scatter @!p0 [tilespmem:s4], [sflag:$0xD], $0x3200, s0, s7, $0x38;
	[tilespmem:$0x1F400] =	vst v63  }
0xfe: {  	s6 =	simm.s32 @!p0 $0xC  }
0xff: {  	_ =	swait.ge @!p0 [sflag:s6], $0x3200  }
0x100: {  	[sflag:s6] =	ssyncset.done @!p0 $0x0  }
0x101: {  	[sflag:s6] =	ssyncadd.s32 @!p0 $0xFFFFCE00;
	s6 =	sadd.s32 @!p0 $0x898, s2  }
0x102: {  	[tilespmem:s5], [sflag:$0x4] =	stream.indirect.gather @!p0 [hbm4b:s3+s1], $0x40, s6, s1, $0xb8;
	[tilespmem:$0x1F400] =	vst v63  }
0x103: {  	s5 =	simm.s32 @!p0 $0x6  }
0x104: {  	_ =	swait.ge @!p0 [sflag:s5], $0x3200  }
0x105: {  	[sflag:s5] =	ssyncset.done @!p0 $0x0  }
0x106: {  	s6 =	sadd.s32 @!p0 $0x3E80, s15;
	[sflag:s5] =	ssyncadd.s32 @!p0 $0xFFFFCE00;
	s5 =	simm.s32 @!p0 $0x15E00  }
0x107: {  	[hbm4b:s6+s7] =	stream.strided.scatter @!p0 [tilespmem:s5], [sflag:$0xE], $0x3200, s0, s7, $0x38;
	[tilespmem:$0x1F400] =	vst v63  }
0x108: {  	s0 =	simm.s32 @!p0 $0xD  }
0x109: {  	_ =	swait.ge @!p0 [sflag:s0], $0x3200  }
0x10a: {  	[sflag:s0] =	ssyncset.done @!p0 $0x0  }
0x10b: {  	[sflag:s0] =	ssyncadd.s32 @!p0 $0xFFFFCE00;
	s0 =	sadd.s32 @!p0 $0x960, s2  }
0x10c: {  	[tilespmem:s4], [sflag:$0x5] =	stream.indirect.gather @!p0 [hbm4b:s3+s1], $0x40, s0, s1, $0xb8;
	[tilespmem:$0x1F400] =	vst v63  }
0x10d: {  	_ =	swait.ge [sflag:s25], $0x3200  }
0x10e: {  	[sflag:s25] =	ssyncset.done $0x0  }
0x10f: {  	s12 =	sadd.s32 $0x4B00, s15;
	s0 =	simm.s32 @!p0 $0xE;
	[sflag:s25] =	ssyncadd.s32 $0xFFFFCE00  }
0x110: {  	[hbm4b:s12+s21] =	stream.strided.scatter [tilespmem:s19], [sflag:$0xF], $0x3200, s22, s21, $0x38;
	[tilespmem:$0x1F400] =	vst v63  }
0x111: {  	_ =	swait.ge @!p0 [sflag:s0], $0x3200  }
0x112: {  	[sflag:s0] =	ssyncset.done @!p0 $0x0  }
0x113: {  	[sflag:s0] =	ssyncadd.s32 @!p0 $0xFFFFCE00;
	s0 =	sadd.s32 @!p0 $0xA28, s2  }
0x114: {  	[tilespmem:s5], [sflag:$0x6] =	stream.indirect.gather @!p0 [hbm4b:s3+s1], $0x40, s0, s1, $0xb8;
	[tilespmem:$0x1F400] =	vst v63  }
0x115: {  	_ =	swait.ge [sflag:s26], $0x3200  }
0x116: {  	[sflag:s26] =	ssyncset.done $0x0  }
0x117: {  	s13 =	simm.s32 $0x9;
	[sflag:s26] =	ssyncadd.s32 $0xFFFFCE00  }
0x118: {  	[hbm4b:s14+s21] =	stream.strided.scatter [tilespmem:s23], [sflag:$0x10], $0x3200, s22, s21, $0x38;
	[tilespmem:$0x1F400] =	vst v63  }
0x119: {  	_ =	swait.ge [sflag:s13], $0x3200  }
0x11a: {  	[sflag:s13] =	ssyncset.done $0x0  }
0x11b: {  	s14 =	simm.s32 $0xA;
	[sflag:s13] =	ssyncadd.s32 $0xFFFFCE00  }
0x11c: {  	_ =	swait.ge [sflag:s14], $0x3200  }
0x11d: {  	[sflag:s14] =	ssyncset.done $0x0  }
0x11e: {  	s15 =	simm.s32 $0xB;
	[sflag:s14] =	ssyncadd.s32 $0xFFFFCE00  }
0x11f: {  	_ =	swait.ge [sflag:s15], $0x3200  }
0x120: {  	[sflag:s15] =	ssyncset.done $0x0  }
0x121: {  	s16 =	simm.s32 $0xC;
	[sflag:s15] =	ssyncadd.s32 $0xFFFFCE00  }
0x122: {  	_ =	swait.ge [sflag:s16], $0x3200  }
0x123: {  	[sflag:s16] =	ssyncset.done $0x0  }
0x124: {  	s17 =	simm.s32 $0xD;
	[sflag:s16] =	ssyncadd.s32 $0xFFFFCE00  }
0x125: {  	_ =	swait.ge [sflag:s17], $0x3200  }
0x126: {  	[sflag:s17] =	ssyncset.done $0x0  }
0x127: {  	s18 =	simm.s32 $0xE;
	[sflag:s17] =	ssyncadd.s32 $0xFFFFCE00  }
0x128: {  	_ =	swait.ge [sflag:s18], $0x3200  }
0x129: {  	[sflag:s18] =	ssyncset.done $0x0  }
0x12a: {  	s28 =	simm.s32 $0xF;
	[sflag:s18] =	ssyncadd.s32 $0xFFFFCE00  }
0x12b: {  	_ =	swait.ge [sflag:s28], $0x3200  }
0x12c: {  	[sflag:s28] =	ssyncset.done $0x0  }
0x12d: {  	s29 =	simm.s32 $0x10;
	[sflag:s28] =	ssyncadd.s32 $0xFFFFCE00  }
0x12e: {  	_ =	swait.ge [sflag:s29], $0x3200  }
0x12f: {  	s30 =	rddreg [dreg:$0xa]  }
0x130: {  	s31 =	rddreg [dreg:$0x8];
	s2 =	sadd.s32 $0x1, s30  }
0x131: {  	p0 =	sne.s32 s2, s31  }
.Ltmp1:
0x132: {  	_ = 	snop;
	(pc) =	sbr.rel @p0 .LBB2_1-.Ltmp1, $3  }
0x133: {  	_ =	sdelay $0x1  }
0x134: {  	[sflag:s29] =	ssyncset.done $0x0  }
0x135: {  	[sflag:s29] =	ssyncadd.s32 $0xFFFFCE00  }
0x136: {  	_ =	sfence.sel $0x180000  }
0x137: {  	[bflag:$0x0] =	sbarrier.arrive $0xFFFF  }
0x138: {  	_ =	strace $0x9000004A  }
0x139: {  	s0 =	stileid.u32;
	[bflag:$0x2] =	sbarrier.arrive $0xFFFF  }
0x13a: {  	p0 =	sne.s32 s0, $0x0;
	s0 =	rddreg [dreg:$0x2]  }
0x13b: {  	s0 =	sadd.s32 @!p0 $0x100000, s0  }
0x13c: {  	[sflag:s0] =	ssyncadd.tile.s32 @!p0 $0x1;
	_ =	shalt  }
.Lfunc_end2:
_tile_overlayer_lowered:
.L_overlay_start_2:
0x13d: {  	(tag) =	ssettag $0x2  }
0x13e: {  	s0 =	rddreg [dreg:$0x0];
	s2 =	stileid.u32  }
0x13f: {  	s1 =	rddreg [dreg:$0x1];
	p0 =	sne.s32 s2, $0x0  }
0x140: {  	s3 =	rddreg [dreg:$0x2];
	[bflag:$0x3] =	sbarrier.arrive $0xFFFF;
	s2 =	simm.s32 @!p0 $0x1C11  }
0x141: {  	[timem:s3], [sflag:s2] =	dma.local @!p0 [hbm:s0], s1  }
0x142: {  	s0 =	simm.s32 @!p0 $0x11  }
0x143: {  	_ =	swait.ge @!p0 [sflag:s0], s1  }
0x144: {  	s1 =	ssub.s32 @!p0 $0x0, s1;
	[sflag:s0] =	ssyncset.done @!p0 $0x0  }
0x145: {  	[sflag:s0] =	ssyncadd.s32 @!p0 s1  }
0x146: {  	[bflag:$0x3] =	sbarrier.arrive $0xFFFF  }
0x147: {  	_ =	shalt  }

// kernel: sparse-core-data-format-call.1.cloned.1.call-start
scs
called_computation.1_lowered:
.L_overlay_start_0:
0x0: {  	s1 =	sld [smem:$0x3FD9]  }
0x1: {  	s2 =	sld [smem:$0x3FFE];
	_ =	sdelay $0x1  }
0x2: {  	s3 =	srdreg.scid  }
0x3: {  	s0 =	sand.u32 $0x1, s3  }
0x4: {  	s17 =	sshll.u32 s0, $0xA;
	s1 =	sadd.s32 s2, s1  }
0x5: {  	s1 =	sadd.s32 s1, s17  }
0x6: {  	[smem:$0x3FC6] =	sst s1  }
0x7: {  	_ = 	snop  }
0x8: {  	(tm) =	ssettm $0x1  }
0x9: {  	s18 =	sld [smem:$0x3FFB];
	_ =	sdelay $0x3  }
0xa: {  	_ =	strace s18  }
0xb: {  	s1 =	sld [smem:$0x3FFC];
	_ =	sdelay $0x3  }
0xc: {  	_ =	strace s1  }
0xd: {  	s1 =	sld [smem:$0x3FFD];
	_ =	sdelay $0x3  }
0xe: {  	_ =	strace s1  }
0xf: {  	_ =	strace $0x8FFFFFFF  }
0x10: {  	s19 =	sld [smem:$0x3FDB];
	_ =	sdelay $0x1  }
0x11: {  	s20 =	simm.s32 $_scs_section_size  }
0x12: {  	s4 =	simm.s32 $_size__tile_overlayer_lowered;
	s5 =	simm.s32 $_tile_overlayer_lowered  }
0x13: {  	s23 =	simm.s32 $0x1BFF;
	s22 =	sshll.u32 s5, $0x1;
	s1 =	sadd.s32 s20, s19  }
0x14: {  	s6 =	simm.s32 $0x0;
	s21 =	sshll.u32 s4, $0x1;
	s4 =	sadd.s32 s22, s1  }
0x15: {  	[timem:s6], [sflag:s23] =	dma.local [hbm:s4], s21  }
0x16: {  	_ =	swait.ge [sflag:s23], s21  }
0x17: {  	s2 =	ssub.s32 $0x0, s21;
	[sflag:s23] =	ssyncset.done $0x0  }
0x18: {  	[sflag:s23] =	ssyncadd.s32 s2;
	_ =	sdelay $0x1  }
0x19: {  	s24 =	simm.s32 $0x1B8B  }
0x1a: {  	_ =	swait.ge [sflag:s24], $0x1  }
0x1b: {  	[sflag:s24] =	ssyncset.done $0x0  }
0x1c: {  	s26 =	simm.s32 $0x1B8E;
	s25 =	sld [smem:$0x3FFE];
	[sflag:s24] =	ssyncadd.s32 $0xFFFFFFFF  }
0x1d: {  	s27 =	simm.s32 $execute0_lowered;
	[smem:$0x3FD2] =	sst s26  }
0x1e: {  	s4 =	sshll.u32 s27, $0x1;
	_ =	strace $0x80000046;
	[dreg:$0x1] =	wrdreg $0xFFFFFFFF  }
0x1f: {  	s28 =	simm.s32 $_size_execute0_lowered;
	s1 =	sadd.s32 s1, s4;
	[dreg:$0x0] =	wrdreg $0x0  }
0x20: {  	s4 =	sshll.u32 s28, $0x1;
	[dreg:$0x2] =	wrdreg s1  }
0x21: {  	[dreg:$0x3] =	wrdreg s4  }
0x22: {  	[dreg:$0x4] =	wrdreg $0xC0  }
0x23: {  	_ =	task [dreg:s6], $0x5FFFF  }
0x24: {  	[dreg:$0x1] =	wrdreg $0xFFFFFFFF  }
0x25: {  	[dreg:$0x0] =	wrdreg $0x60  }
0x26: {  	[dreg:$0x2] =	wrdreg s25  }
0x27: {  	[dreg:$0x3] =	wrdreg $0x9  }
0x28: {  	_ =	task.clear_ibuf [dreg:s6], $0x4FFFF;
	_ =	strace $0x90000046  }
0x29: {  	s29 =	simm.s32 $0x9;
	_ =	strace $0x80000048  }
0x2a: {  	_ =	swait.ge [sflag:s29], $0x1  }
0x2b: {  	[sflag:s29] =	ssyncadd.s32 $0xFFFFFFFF  }
0x2c: {  	_ =	strace $0x90000048  }
0x2d: {  	_ =	sfence  }
0x2e: {  	s30 =	sld [smem:$0x0];
	_ =	sdelay $0x2  }
0x2f: {  	s31 =	sshll.u32 s3, $0xD;
	s3 =	sshrl.u32 s3, $0x2  }
0x30: {  	s2 =	sand.u32 $0x4000, s31;
	s1 =	sadd.s32 s3, s30  }
0x31: {  	s0 =	sor.u32 s2, s0;
	s1 =	sshll.u32 s1, $0x11  }
0x32: {  	s0 =	sor.u32 s1, s0  }
0x33: {  	s0 =	sadd.s32 $0x8F2B, s0  }
0x34: {  	[sflag:s0] =	ssyncadd.remote.s32 $0x1  }
0x35: {  	_ =	sfence.sel $0xFFFF  }
0x36: {  	[dreg:$0x0] =	wrdreg $0xFFFFFFFF;
	(pc) =	sbr.abs _section_cstart, $3  }
0x37: {  	[dreg:$0x1] =	wrdreg $0xFFFFFFFF  }
0x38: {  	_ =	task.clear_ibuf [dreg:s6], $0x2FFFF;
	_ =	strace $0x9FFFFFFF  }
0x39: {  	(tm) =	ssettm $0x7FFFFFFF  }
tec
execute0_lowered:
.L_overlay_start_1:
0x0: {  	(tag) =	ssettag $0x1  }
0x1: {  	s0 =	srdreg.scid  }
0x2: {  	s4 =	rddreg [dreg:$0x0];
	s1 =	stileid.u32  }
0x3: {  	s5 =	simm.s32 $0x1;
	s7 =	simm.s32 $0x2;
	s14 =	simm.s32 $0x0  }
0x4: {  	p0 =	por $0x0, $0x0;
	s13 =	simm.s32 $0x0;
	s0 =	sshll.u32 s0, $0x4  }
0x5: {  	s8 =	simm.s32 $0x0;
	s9 =	simm.s32 $0x0;
	s2 =	sand.u32 $0x10, s0  }
.Ltmp0:
0x6: {  	s11 =	simm.s32 $0x0;
	s3 =	sor.u32 s1, s2;
	(pc) =	sbr.rel .LBB1_1-.Ltmp0, $4  }
0x7: {  	s12 =	simm.s32 $0x0;
	s0 =	rddreg [dreg:$0x1];
	s3 =	sshll.u32 s3, $0x7  }
0x8: {  	_ =	strace $0x80000047;
	s2 =	sadd.s32 $0xE00, s4;
	s6 =	ssub.s32 $0xF4200, s3  }
0x9: {  	s4 =	sadd.s32 $0xF43600, s4;
	[sflag:s5] =	ssyncpa.u1 $0x0;
	s6 =	sshrl.u32 s6, $0xC  }
0xa: {  	[sflag:s7] =	ssyncpa.u1 $0x0;
	s10 =	smov.u32 s3;
	s7 =	sadd.s32 $0x2, s6  }
.LBB1_5:
0xb: {  	p1 =	slt.u32 s12, $0x2  }
0xc: {  	p2 =	sgt.s32 @!p1 s14, $0xF41C0  }
0xd: {  	s15 =	smov.u32 s14;
	s16 =	sshra.s32 @!p1 s14, $0x1F;
	p2 =	por !p2, p1  }
0xe: {  	s14 =	sand.u32 @!p1 s16, s14;
	s15 =	simm.s32 @p2 $0xF41C0  }
0xf: {  	s14 =	ssub.s32 @!p1 s15, s14;
	s15 =	ssub.s32 @!p1 $0x0, s13  }
0x10: {  	s17 =	smov.u32 s11;
	s16 =	sadd.s32 @!p1 $0xFFF0BE40, s14;
	s13 =	smin.u32 @!p1 s13, s15  }
0x11: {  	s14 =	ssub.s32 @!p1 $0xF4240, s14;
	p2 =	sgt.s32 @!p1 s16, $0x7F;
	p3 =	sgt.s32 @!p1 s13, $0x7F  }
0x12: {  	s13 =	ssub.s32 @!p1 $0x80, s13;
	p2 =	por !p2, p1;
	p3 =	por !p3, p1  }
0x13: {  	s15 =	sadd.s32 $0x1000, s10;
	s14 =	simm.s32 @!p2 $0x0;
	s13 =	simm.s32 @!p3 $0x0  }
0x14: {  	p2 =	sgt.s32 s15, $0xF423F;
	s13 =	smul.u32 @!p1 s13, s14;
	s14 =	sadd.s32 $0x80, s11  }
0x15: {  	s17 =	smov.u32 @p2 s14  }
0x16: {  	s15 =	smov.u32 @p2 s3;
	p2 =	sgt.s32 s17, $0x7F  }
0x17: {  	s17 =	simm.s32 @p2 $0x0;
	p2 =	sne.s32 s12, s7  }
.Ltmp1:
0x18: {  	p0 =	por !p0, !p0;
	s16 =	simm.s32 @!p1 $0x2;
	(pc) =	sbr.rel @!p2 .LBB1_6-.Ltmp1, $4  }
0x19: {  	s14 =	smov.u32 s8;
	s8 =	smov.u32 s10;
	s13 =	sand.u32 @!p1 $0x3FFFFFFF, s13  }
0x1a: {  	s10 =	smov.u32 s15;
	_ =	swait.ge @!p1 [sflag:s16], s13;
	s18 =	ssub.s32 @!p1 $0x0, s13  }
0x1b: {  	s13 =	smov.u32 s9;
	s12 =	sadd.s32 $0x1, s12;
	[sflag:s16] =	ssyncset.done @!p1 $0x0  }
0x1c: {  	s9 =	smov.u32 s11;
	s11 =	smov.u32 s17;
	[sflag:s16] =	ssyncadd.s32 @!p1 s18  }
.LBB1_1:
0x1d: {  	p1 =	sgt.u32 s12, s6  }
0x1e: {  	s15 =	sshrl.u32 @!p1 s11, $0x3  }
0x1f: {  	s16 =	sshll.u32 @!p1 s10, $0x3;
	s15 =	smul.u32 @!p1 $0x7A1400, s15  }
0x20: {  	s17 =	sshll.u32 @!p1 s11, $0x7;
	s16 =	sand.u32 @!p1 $0xFFFFFC00, s16  }
0x21: {  	s15 =	sadd.s32 @!p1 s15, s16;
	s16 =	sand.u32 @!p1 $0x380, s17  }
0x22: {  	s17 =	sand.u32 @!p1 $0x7F, s10;
	s15 =	sor.u32 @!p1 s16, s15  }
0x23: {  	s16 =	sor.u32 @!p1 s17, s15  }
0x24: {  	s17 =	smulhi.u32 @!p1 $0x218D6287, s16;
	_ =	sdelay $0x1  }
0x25: {  	s15 =	smulhi.u32 @!p1 $0x218D6287, s15;
	s17 =	sshrl.u32 @!p1 s17, $0x11  }
0x26: {  	s17 =	smul.u32 @!p1 $0xF4280, s17  }
0x27: {  	s18 =	sxor.u32 @!p1 $0xFFFFFFFF, s12;
	s15 =	sshrl.u32 @!p1 s15, $0x11  }
0x28: {  	s18 =	sshll.u32 @!p1 s18, $0xE;
	s15 =	sand.u32 @!p1 $0x7F, s15;
	s16 =	ssub.s32 @!p1 s16, s17  }
0x29: {  	s15 =	smul.u32 @!p1 $0x1E850, s15;
	s17 =	sshrl.u32 @!p1 s16, $0x3;
	s16 =	sand.u32 @!p1 $0x7, s16  }
0x2a: {  	s18 =	sand.u32 @!p1 $0x4000, s18;
	s17 =	sadd.s32 @!p1 s2, s17;
	s16 =	sshll.u32 @!p1 s16, $0x12  }
0x2b: {  	s15 =	sadd.s32 @!p1 s15, s17;
	s16 =	sor.u32 @!p1 $0x400, s16;
	s17 =	simm.s32 @!p1 $0x7A1400  }
0x2c: {  	[tilespmem:s18], [sflag:$0x1] =	stream.strided.gather @!p1 [hbm4b:s15+s16], $0x4000, s17, s16, $0x38;
	[tilespmem:$0x10100] =	vst v63  }
0x2d: {  	p1 =	seq.s32 s12, $0x0  }
0x2e: {  	p2 =	sge.u32 @!p1 s12, s7  }
0x2f: {  	p1 =	por p1, p2  }
.Ltmp2:
0x30: {  	_ = 	snop;
	(pc) =	sbr.rel @p1 .LBB1_5-.Ltmp2, $1  }
0x31: {  	_ =	sdelay $0x3  }
0x32: {  	s15 =	simm.s32 $0x1  }
0x33: {  	_ =	swait.ge [sflag:s5], $0x4000;
	s15 =	simm.s32 @!p0 $0x0  }
0x34: {  	[sflag:s5] =	ssyncset.done $0x0;
	s16 =	sshll.u32 s15, $0xE  }
0x35: {  	[sflag:s5] =	ssyncadd.s32 $0xFFFFC000;
	s16 =	sor.u32 $0x40, s16  }
0x36: {  	s15 =	smul.u32 $0x10200, s15;
	v0 =	vld [tilespmem:s16+$0x30]  }
0x37: {  	v1 =	vld [tilespmem:s16+$0xFFFFFFD0]  }
0x38: {  	s15 =	sshrl.u32 s15, $0x2;
	v5 =	vld [tilespmem:s16+$0xFFFFFFE0]  }
0x39: {  	v6 =	vld [tilespmem:s16+$0xFFFFFFF0];
	s18 =	sor.u32 $0x8000, s15  }
0x3a: {  	s31 =	sand.u32 $0x1, s12;
	v4 =	vld [tilespmem:s16+$0x0];
	s17 =	sadd.s32 $0x0, s18  }
0x3b: {  	v3 =	vld [tilespmem:s16+$0x10];
	s15 =	smul.u32 $0x10200, s31;
	[tilespmem:s17+$0x3870 ss:$0x81] =	vst.msk $0xffff, v0  }
0x3c: {  	v2 =	vld [tilespmem:s16+$0x20];
	[tilespmem:s17+$0x810 ss:$0x81] =	vst.msk $0xffff, v1  }
0x3d: {  	s15 =	sshrl.u32 s15, $0x2;
	v0 =	vld [tilespmem:s16+$0xFFFFFFC0];
	[tilespmem:s17+$0x1020 ss:$0x81] =	vst.msk $0xffff, v5;
	s16 =	sadd.s32 $0x80, s16  }
0x3e: {  	s19 =	simm.s32 $0x4;
	s20 =	simm.s32 $0x8;
	s15 =	sor.u32 $0x8000, s15;
	[tilespmem:s17+$0x1830 ss:$0x81] =	vst.msk $0xffff, v6;
	v1 =	vld [tilespmem:s16+$0x30]  }
.LBB1_3:
0x3f: {  	p1 =	sne.s32 s20, $0x1FC;
	v5 =	vld [tilespmem:s16+$0xFFFFFFD0];
	[tilespmem:s17+$0x2040 ss:$0x81] =	vst.msk $0xffff, v4  }
0x40: {  	v6 =	vld [tilespmem:s16+$0xFFFFFFE0];
	[tilespmem:s17+$0x2850 ss:$0x81] =	vst.msk $0xffff, v3  }
0x41: {  	s21 =	sshra.s32 s19, $0x2;
	s19 =	smov.u32 s20;
	v7 =	vld [tilespmem:s16+$0xFFFFFFF0];
	[tilespmem:s17+$0x3060 ss:$0x81] =	vst.msk $0xffff, v2  }
.Ltmp3:
0x42: {  	v4 =	vld [tilespmem:s16+$0x0];
	[tilespmem:s17+$0x0 ss:$0x81] =	vst.msk $0xffff, v0;
	s17 =	sadd.s32 s21, s18;
	(pc) =	sbr.rel @p1 .LBB1_3-.Ltmp3, $4  }
0x43: {  	v3 =	vld [tilespmem:s16+$0x10];
	[tilespmem:s17+$0x3870 ss:$0x81] =	vst.msk $0xffff, v1  }
0x44: {  	[tilespmem:s17+$0x810 ss:$0x81] =	vst.msk $0xffff, v5;
	v2 =	vld [tilespmem:s16+$0x20]  }
0x45: {  	v0 =	vld [tilespmem:s16+$0xFFFFFFC0];
	[tilespmem:s17+$0x1020 ss:$0x81] =	vst.msk $0xffff, v6;
	s16 =	sadd.s32 $0x80, s16  }
0x46: {  	s20 =	sadd.s32 $0x4, s20;
	v1 =	vld [tilespmem:s16+$0x30];
	[tilespmem:s17+$0x1830 ss:$0x81] =	vst.msk $0xffff, v7  }
0x47: {  	s20 =	sshll.u32 s8, $0x7;
	s21 =	sshll.u32 s9, $0x3;
	s19 =	sshra.s32 s19, $0x2  }
0x48: {  	v5 =	vld [tilespmem:s16+$0xFFFFFFD0];
	[tilespmem:s17+$0x2040 ss:$0x81] =	vst.msk $0xffff, v4;
	p1 =	sgt.s32 s8, $0xF41C0;
	s22 =	sand.u32 $0xFFFFFC00, s20;
	s21 =	sand.u32 $0xFFFFFC00, s21  }
0x49: {  	v58 =	vld [tilespmem:s16+$0xFFFFFFE0];
	s24 =	sshra.s32 s8, $0x1F;
	s20 =	sand.u32 $0x380, s20;
	[tilespmem:s17+$0x2850 ss:$0x81] =	vst.msk $0xffff, v3;
	s21 =	sadd.s32 s21, s22  }
0x4a: {  	v59 =	vld [tilespmem:s16+$0xFFFFFFF0];
	s26 =	ssub.s32 $0x0, s9;
	s18 =	sadd.s32 s19, s18;
	[tilespmem:s17+$0x3060 ss:$0x81] =	vst.msk $0xffff, v2;
	s23 =	sor.u32 s20, s21  }
0x4b: {  	v60 =	vld [tilespmem:s16+$0x0];
	s28 =	smin.u32 s9, s26;
	s20 =	smov.u32 s8;
	[tilespmem:s17+$0x0 ss:$0x81] =	vst.msk $0xffff, v0;
	s19 =	sshrl.u32 s23, $0x7  }
0x4c: {  	v61 =	vld [tilespmem:s16+$0x10];
	s21 =	sand.u32 s24, s8;
	s20 =	simm.s32 @!p1 $0xF41C0;
	[tilespmem:s18+$0x3870 ss:$0x81] =	vst.msk $0xffff, v1;
	s25 =	smulhi.u32 $0x218DEF5, s19  }
0x4d: {  	v62 =	vld [tilespmem:s16+$0x20];
	s29 =	sshrl.u32 s9, $0x3;
	p2 =	sgt.s32 s28, $0x7F;
	s20 =	ssub.s32 s20, s21;
	[tilespmem:s18+$0x810 ss:$0x81] =	vst.msk $0xffff, v5  }
0x4e: {  	v63 =	vld [tilespmem:s16+$0xFFFFFFC0];
	[tilespmem:s18+$0x1020 ss:$0x81] =	vst.msk $0xffff, v58;
	s21 =	sadd.s32 $0xFFF0BE40, s20;
	s20 =	ssub.s32 $0xF4240, s20;
	s17 =	sshrl.u32 s25, $0xD  }
0x4f: {  	[tilespmem:s18+$0x1830 ss:$0x81] =	vst.msk $0xffff, v59;
	p1 =	sgt.s32 s21, $0x7F;
	s27 =	smul.u32 $0xF4240, s17;
	s17 =	ssub.s32 $0x80, s28  }
.Ltmp4:
0x50: {  	[tilespmem:s18+$0x2040 ss:$0x81] =	vst.msk $0xffff, v60;
	s20 =	simm.s32 @p1 $0x0;
	s17 =	simm.s32 @p2 $0x0;
	(pc) =	sbr.rel .LBB1_5-.Ltmp4, $4  }
0x51: {  	s30 =	sand.u32 $0xF, s29;
	[tilespmem:s18+$0x2850 ss:$0x81] =	vst.msk $0xffff, v61;
	s16 =	ssub.s32 s19, s27;
	s17 =	smul.u32 s17, s20  }
0x52: {  	[tilespmem:s18+$0x3060 ss:$0x81] =	vst.msk $0xffff, v62;
	s19 =	sadd.s32 s4, s30;
	s16 =	sshll.u32 s16, $0x4  }
0x53: {  	s31 =	sand.u32 $0x7, s9;
	[tilespmem:s18+$0x0 ss:$0x81] =	vst.msk $0xffff, v63;
	s17 =	sand.u32 $0x3FFFFFFF, s17;
	s16 =	sadd.s32 s16, s19  }
0x54: {  	[hbm4b:s16+s31] =	stream.linear.scatter [tilespmem:s15], [sflag:$0x2], s17, $0x20;
	[tilespmem:$0x10100] =	vst v63  }
.LBB1_6:
0x55: {  	_ =	sfence.sel $0x180000  }
0x56: {  	s2 =	simm.s32 $0x1;
	[bflag:$0x0] =	sbarrier.arrive $0xFFFF  }
0x57: {  	s31 =	simm.s32 $0x2;
	[sflag:s2] =	ssyncpa.u1 $0x1  }
0x58: {  	[sflag:s31] =	ssyncpa.u1 $0x1  }
0x59: {  	p0 =	sne.s32 s1, $0x0;
	_ =	strace $0x90000047  }
0x5a: {  	s0 =	sadd.s32 @!p0 $0x100000, s0;
	[bflag:$0x2] =	sbarrier.arrive $0xFFFF  }
0x5b: {  	[sflag:s0] =	ssyncadd.tile.s32 @!p0 $0x1;
	_ =	shalt  }
.Lfunc_end1:
_tile_overlayer_lowered:
.L_overlay_start_2:
0x5c: {  	(tag) =	ssettag $0x2  }
0x5d: {  	s0 =	rddreg [dreg:$0x0];
	s2 =	stileid.u32  }
0x5e: {  	s1 =	rddreg [dreg:$0x1];
	p0 =	sne.s32 s2, $0x0  }
0x5f: {  	s3 =	rddreg [dreg:$0x2];
	[bflag:$0x3] =	sbarrier.arrive $0xFFFF;
	s2 =	simm.s32 @!p0 $0x1C01  }
0x60: {  	[timem:s3], [sflag:s2] =	dma.local @!p0 [hbm:s0], s1  }
0x61: {  	s0 =	simm.s32 @!p0 $0x1  }
0x62: {  	_ =	swait.ge @!p0 [sflag:s0], s1  }
0x63: {  	s1 =	ssub.s32 @!p0 $0x0, s1;
	[sflag:s0] =	ssyncset.done @!p0 $0x0  }
0x64: {  	[sflag:s0] =	ssyncadd.s32 @!p0 s1  }
0x65: {  	[bflag:$0x3] =	sbarrier.arrive $0xFFFF  }
0x66: {  	_ =	shalt  }

// kernel: sparse-core-data-format-call.cloned.1.call-start
scs
called_computation_lowered:
.L_overlay_start_0:
0x0: {  	s2 =	sld [smem:$0x3FD9]  }
0x1: {  	s3 =	sld [smem:$0x3FFE];
	_ =	sdelay $0x1  }
0x2: {  	s1 =	srdreg.scid  }
0x3: {  	s0 =	sand.u32 $0x1, s1  }
0x4: {  	s18 =	sshll.u32 s0, $0xA;
	s2 =	sadd.s32 s3, s2  }
0x5: {  	s2 =	sadd.s32 s2, s18  }
0x6: {  	[smem:$0x3FC6] =	sst s2  }
0x7: {  	_ = 	snop  }
0x8: {  	s2 =	sld [smem:$0x3FD0];
	(tm) =	ssettm $0x1  }
0x9: {  	s19 =	sld [smem:$0x3FFB];
	_ =	sdelay $0x3  }
0xa: {  	_ =	strace s19  }
0xb: {  	s3 =	sld [smem:$0x3FFC];
	_ =	sdelay $0x3  }
0xc: {  	_ =	strace s3  }
0xd: {  	s3 =	sld [smem:$0x3FFD];
	_ =	sdelay $0x3  }
0xe: {  	_ =	strace s3  }
0xf: {  	_ =	strace $0x8FFFFFFF  }
0x10: {  	s20 =	sld [smem:$0x3FDB];
	_ =	sdelay $0x1  }
0x11: {  	s4 =	simm.s32 $_scs_section_size  }
0x12: {  	s5 =	simm.s32 $_size__tile_overlayer_lowered;
	s6 =	simm.s32 $_tile_overlayer_lowered  }
0x13: {  	s23 =	simm.s32 $0x1BFF;
	s22 =	sshll.u32 s6, $0x1;
	s3 =	sadd.s32 s4, s20  }
0x14: {  	s7 =	simm.s32 $0x0;
	s21 =	sshll.u32 s5, $0x1;
	s5 =	sadd.s32 s22, s3  }
0x15: {  	[timem:s7], [sflag:s23] =	dma.local [hbm:s5], s21  }
0x16: {  	_ =	swait.ge [sflag:s23], s21  }
0x17: {  	s4 =	ssub.s32 $0x0, s21;
	[sflag:s23] =	ssyncset.done $0x0  }
0x18: {  	[sflag:s23] =	ssyncadd.s32 s4;
	_ =	sdelay $0x1  }
0x19: {  	s24 =	simm.s32 $0x1B8B  }
0x1a: {  	_ =	swait.ge [sflag:s24], $0x1  }
0x1b: {  	[sflag:s24] =	ssyncset.done $0x0  }
0x1c: {  	s26 =	simm.s32 $0x1B8E;
	s25 =	sld [smem:$0x3FFE];
	[sflag:s24] =	ssyncadd.s32 $0xFFFFFFFF  }
0x1d: {  	s27 =	simm.s32 $execute0_lowered;
	[smem:$0x3FD2] =	sst s26  }
0x1e: {  	s5 =	sshll.u32 s27, $0x1;
	_ =	strace $0x8000004C;
	[dreg:$0x1] =	wrdreg $0xFFFFFFFF  }
0x1f: {  	s28 =	simm.s32 $_size_execute0_lowered;
	s3 =	sadd.s32 s3, s5;
	[dreg:$0x0] =	wrdreg $0x0  }
0x20: {  	s5 =	sshll.u32 s28, $0x1;
	[dreg:$0x2] =	wrdreg s3  }
0x21: {  	[dreg:$0x3] =	wrdreg s5  }
0x22: {  	[dreg:$0x4] =	wrdreg $0xC0  }
0x23: {  	_ =	task [dreg:s7], $0x5FFFF  }
0x24: {  	[dreg:$0x1] =	wrdreg $0xFFFFFFFF  }
0x25: {  	[dreg:$0x0] =	wrdreg $0x60  }
0x26: {  	[dreg:$0x2] =	wrdreg s25  }
0x27: {  	[dreg:$0x3] =	wrdreg s2  }
0x28: {  	[dreg:$0x4] =	wrdreg $0x9  }
0x29: {  	_ =	task.clear_ibuf [dreg:s7], $0x5FFFF;
	_ =	strace $0x9000004C  }
0x2a: {  	s29 =	simm.s32 $0x9;
	_ =	strace $0x8000004E  }
0x2b: {  	_ =	swait.ge [sflag:s29], $0x1  }
0x2c: {  	[sflag:s29] =	ssyncadd.s32 $0xFFFFFFFF  }
0x2d: {  	_ =	strace $0x9000004E  }
0x2e: {  	_ =	sfence  }
0x2f: {  	s30 =	sld [smem:$0x0];
	_ =	sdelay $0x2  }
0x30: {  	s31 =	sshll.u32 s1, $0xD;
	s1 =	sshrl.u32 s1, $0x2  }
0x31: {  	s3 =	sand.u32 $0x4000, s31;
	s1 =	sadd.s32 s1, s30  }
0x32: {  	s0 =	sor.u32 s3, s0;
	s1 =	sshll.u32 s1, $0x11  }
0x33: {  	s0 =	sor.u32 s1, s0  }
0x34: {  	s0 =	sadd.s32 $0x8F2B, s0  }
0x35: {  	[sflag:s0] =	ssyncadd.remote.s32 $0x1  }
0x36: {  	_ =	sfence.sel $0xFFFF  }
0x37: {  	[dreg:$0x0] =	wrdreg $0xFFFFFFFF;
	(pc) =	sbr.abs _section_cstart, $3  }
0x38: {  	[dreg:$0x1] =	wrdreg $0xFFFFFFFF  }
0x39: {  	_ =	task.clear_ibuf [dreg:s7], $0x2FFFF;
	_ =	strace $0x9FFFFFFF  }
0x3a: {  	(tm) =	ssettm $0x7FFFFFFF  }
0x3b: {  	_ =	shalt  }
tec
execute0_lowered:
.L_overlay_start_1:
0x0: {  	(tag) =	ssettag $0x1  }
0x1: {  	s0 =	srdreg.scid  }
0x2: {  	s1 =	sshll.u32 s0, $0x4  }
0x3: {  	s0 =	stileid.u32;
	s1 =	sand.u32 $0x10, s1  }
0x4: {  	s1 =	sor.u32 s0, s1  }
0x5: {  	s6 =	rddreg [dreg:$0x0];
	s4 =	simm.s32 $0x1;
	s2 =	sshll.u32 s1, $0x7  }
0x6: {  	s7 =	simm.s32 $0x2;
	s12 =	simm.s32 $0x0;
	s1 =	ssub.s32 $0x1000, s2  }
0x7: {  	s8 =	simm.s32 $0x8000;
	s13 =	simm.s32 $0x0;
	s3 =	sand.u32 $0xF80, s1  }
0x8: {  	s9 =	simm.s32 $0x0;
	s5 =	sshrl.u32 s1, $0xC;
	p0 =	sne.s32 s3, $0x0  }
.Ltmp0:
0x9: {  	s1 =	rddreg [dreg:$0x2];
	s4 =	simm.s32 @!p0 $0x0;
	(pc) =	sbr.rel .LBB1_1-.Ltmp0, $4  }
0xa: {  	s11 =	simm.s32 $0x0;
	s3 =	rddreg [dreg:$0x1];
	s5 =	sadd.s32 s4, s5  }
0xb: {  	_ =	strace $0x8000004D;
	s4 =	simm.s32 $0x1;
	s5 =	smul.u32 $0xC8, s5  }
0xc: {  	s6 =	sadd.s32 $0xE00, s6;
	s10 =	smov.u32 s2;
	[sflag:s4] =	ssyncpa.u1 $0x0  }
0xd: {  	p0 =	por $0x0, $0x0;
	[sflag:s7] =	ssyncpa.u1 $0x0;
	s7 =	sor.u32 $0x1, s5  }
.LBB1_4:
0xe: {  	s16 =	sshll.u32 s13, $0x3;
	s17 =	sand.u32 $0x78, s13  }
0xf: {  	s30 =	sand.u32 $0x7E00, s13;
	s12 =	sshll.u32 s12, $0xF;
	s16 =	sand.u32 $0xC00, s16  }
0x10: {  	[tilespmem:s15+$0x810 ss:$0x81] =	vst.msk $0xffff, v2;
	s31 =	sand.u32 $0x7, s13;
	s16 =	sor.u32 s17, s16;
	s17 =	sadd.s32 s3, s30  }
0x11: {  	[tilespmem:s15+$0x1020 ss:$0x81] =	vst.msk $0xffff, v0;
	s13 =	sshll.u32 s31, $0x12;
	s12 =	sadd.s32 s12, s17;
	s16 =	sshrl.u32 s16, $0x3  }
0x12: {  	[tilespmem:s15+$0x0 ss:$0x81] =	vst.msk $0xffff, v1;
	s13 =	sor.u32 $0x400, s13;
	s12 =	sadd.s32 s16, s12  }
0x13: {  	[hbm4b:s12+s13] =	stream.strided.scatter [tilespmem:s14], [sflag:$0x2], $0x2000, s8, s13, $0x20;
	[tilespmem:$0x8080] =	vst v63  }
.LBB1_5:
0x14: {  	s14 =	sadd.s32 $0x1, s9  }
0x15: {  	s12 =	sadd.s32 $0x1000, s10;
	s16 =	smov.u32 s10;
	p2 =	sgt.s32 s14, $0xC7  }
0x16: {  	s16 =	smov.u32 @p2 s12  }
0x17: {  	s14 =	simm.s32 @p2 $0x0;
	p2 =	sgt.s32 s16, $0xFFF  }
0x18: {  	s16 =	smov.u32 @p2 s2;
	p2 =	sne.s32 s11, s7  }
.Ltmp1:
0x19: {  	p1 =	slt.u32 s11, $0x2;
	(pc) =	sbr.rel @!p2 .LBB1_6-.Ltmp1, $4  }
0x1a: {  	s15 =	simm.s32 @!p1 $0x2  }
0x1b: {  	s13 =	smov.u32 s10;
	p0 =	por !p0, !p0;
	_ =	swait.ge @!p1 [sflag:s15], $0x2000  }
0x1c: {  	s12 =	smov.u32 s9;
	[sflag:s15] =	ssyncset.done @!p1 $0x0;
	s9 =	smov.u32 s14  }
0x1d: {  	s11 =	sadd.s32 $0x1, s11;
	[sflag:s15] =	ssyncadd.s32 @!p1 $0xFFFFE000;
	s10 =	smov.u32 s16  }
.LBB1_1:
0x1e: {  	p1 =	sge.u32 s11, s5  }
0x1f: {  	s14 =	sand.u32 @!p1 $0x1FFFFFF, s9  }
0x20: {  	s15 =	smulhi.u32 @!p1 $0x147AE15, s14;
	_ =	sdelay $0x1  }
0x21: {  	s15 =	smul.u32 @!p1 $0xC8, s15  }
0x22: {  	s16 =	sxor.u32 @!p1 $0xFFFFFFFF, s11;
	s17 =	smul.u32 @!p1 $0xC80, s10  }
0x23: {  	s31 =	sadd.s32 $0xFFFFFFFF, s11;
	s16 =	sshll.u32 @!p1 s16, $0xD;
	s14 =	ssub.s32 @!p1 s14, s15  }
0x24: {  	s15 =	sand.u32 @!p1 $0x2000, s16;
	s16 =	sadd.s32 @!p1 s6, s17;
	s14 =	sshll.u32 @!p1 s14, $0x4  }
0x25: {  	s17 =	simm.s32 @!p1 $0x6400;
	s14 =	sadd.s32 @!p1 s14, s16;
	s16 =	simm.s32 @!p1 $0x40  }
0x26: {  	[tilespmem:s15], [sflag:$0x1] =	stream.strided.gather @!p1 [hbm4b:s14+s16], $0x2000, s17, s16, $0x38;
	[tilespmem:$0x8080] =	vst v63  }
0x27: {  	p1 =	sge.u32 s31, s5  }
.Ltmp2:
0x28: {  	_ = 	snop;
	(pc) =	sbr.rel @p1 .LBB1_5-.Ltmp2, $1  }
0x29: {  	_ =	sdelay $0x3  }
0x2a: {  	s14 =	simm.s32 $0x1  }
0x2b: {  	_ =	swait.ge [sflag:s4], $0x2000;
	s14 =	simm.s32 @!p0 $0x0  }
0x2c: {  	[sflag:s4] =	ssyncset.done $0x0;
	s15 =	sshll.u32 s14, $0xD  }
0x2d: {  	[sflag:s4] =	ssyncadd.s32 $0xFFFFE000;
	s18 =	sor.u32 $0x20, s15  }
0x2e: {  	s14 =	smul.u32 $0x8100, s14;
	v3 =	vld [tilespmem:s18+$0x10]  }
0x2f: {  	s30 =	sand.u32 $0x1, s11;
	v2 =	vld [tilespmem:s18+$0xFFFFFFF0]  }
0x30: {  	s15 =	smul.u32 $0x8100, s30;
	s14 =	sshrl.u32 s14, $0x2;
	v0 =	vld [tilespmem:s18+$0x0]  }
0x31: {  	v1 =	vld [tilespmem:s18+$0xFFFFFFE0];
	s16 =	sor.u32 $0x4000, s14  }
0x32: {  	s31 =	sshrl.u32 s15, $0x2;
	s15 =	sadd.s32 $0x0, s16  }
0x33: {  	s17 =	simm.s32 $0x4;
	s18 =	sadd.s32 $0x40, s18;
	s14 =	sor.u32 $0x4000, s31;
	[tilespmem:s15+$0x1830 ss:$0x81] =	vst.msk $0xffff, v3  }
.LBB1_3:
0x34: {  	v3 =	vld [tilespmem:s18+$0x10];
	p1 =	sne.s32 s17, $0x1FC;
	[tilespmem:s15+$0x810 ss:$0x81] =	vst.msk $0xffff, v2;
	s19 =	smov.u32 s17;
	s17 =	sadd.s32 $0x4, s17  }
.Ltmp3:
0x35: {  	v2 =	vld [tilespmem:s18+$0xFFFFFFF0];
	[tilespmem:s15+$0x1020 ss:$0x81] =	vst.msk $0xffff, v0;
	(pc) =	sbr.rel @p1 .LBB1_3-.Ltmp3, $4  }
0x36: {  	v0 =	vld [tilespmem:s18+$0x0];
	[tilespmem:s15+$0x0 ss:$0x81] =	vst.msk $0xffff, v1  }
0x37: {  	s15 =	sshra.s32 s19, $0x2;
	v1 =	vld [tilespmem:s18+$0xFFFFFFE0]  }
0x38: {  	s15 =	sadd.s32 s15, s16  }
0x39: {  	s18 =	sadd.s32 $0x40, s18;
	[tilespmem:s15+$0x1830 ss:$0x81] =	vst.msk $0xffff, v3  }
.Ltmp4:
0x3a: {  	_ = 	snop;
	(pc) =	sbr.rel .LBB1_4-.Ltmp4, $1  }
0x3b: {  	_ =	sdelay $0x3  }
.LBB1_6:
0x3c: {  	_ =	sfence.sel $0x180000  }
0x3d: {  	s2 =	simm.s32 $0x1;
	[bflag:$0x0] =	sbarrier.arrive $0xFFFF  }
0x3e: {  	s31 =	simm.s32 $0x2;
	[sflag:s2] =	ssyncpa.u1 $0x1  }
0x3f: {  	[sflag:s31] =	ssyncpa.u1 $0x1  }
0x40: {  	p0 =	sne.s32 s0, $0x0;
	_ =	strace $0x9000004D  }
0x41: {  	s0 =	sadd.s32 @!p0 $0x100000, s1;
	[bflag:$0x2] =	sbarrier.arrive $0xFFFF  }
0x42: {  	[sflag:s0] =	ssyncadd.tile.s32 @!p0 $0x1;
	_ =	shalt  }
.Lfunc_end1:
_tile_overlayer_lowered:
.L_overlay_start_2:
0x43: {  	(tag) =	ssettag $0x2  }
0x44: {  	s0 =	rddreg [dreg:$0x0];
	s2 =	stileid.u32  }
0x45: {  	s1 =	rddreg [dreg:$0x1];
	p0 =	sne.s32 s2, $0x0  }
0x46: {  	s3 =	rddreg [dreg:$0x2];
	[bflag:$0x3] =	sbarrier.arrive $0xFFFF;
	s2 =	simm.s32 @!p0 $0x1C01  }
0x47: {  	[timem:s3], [sflag:s2] =	dma.local @!p0 [hbm:s0], s1  }
0x48: {  	s0 =	simm.s32 @!p0 $0x1  }
0x49: {  	_ =	swait.ge @!p0 [sflag:s0], s1  }
0x4a: {  	s1 =	ssub.s32 @!p0 $0x0, s1;
	[sflag:s0] =	ssyncset.done @!p0 $0x0  }
0x4b: {  	[sflag:s0] =	ssyncadd.s32 @!p0 s1  }
0x4c: {  	[bflag:$0x3] =	sbarrier.arrive $0xFFFF  }
0x4d: {  	_ =	shalt  }

</sc_bundles>
